<compile_context>
chip_gen: v7x
topology: tpu7x:2x2x1
jax: 0.10.2.dev20260603
libtpu: 0.0.44.dev20260713+nightly
codegen_flags: <defaults>
</compile_context>

<pallas_src>
import functools
import math

import jax
import jax.numpy as jnp
from jax import lax
from jax.experimental import pallas as pl
from jax.experimental.pallas import tpu as pltpu
from jax.experimental.pallas import tpu_sc as plsc

_B = 8
_HW = 32
_ANCH = 6
_CELLS = _HW * _HW
_P = _CELLS * _ANCH
_D = 128
_NID = 5000
_NPAD = 5120
_CB = 128
_RB = 512
_ROWS = _B * _CELLS
_GRID = _ROWS // _RB
_EMB_SCALE = math.sqrt(2) * math.log(_NID - 1)
_NEG_RATIO = 15


def _prep_body(c0_ref, c1_ref, lab_ref, key_ref):
    c0 = c0_ref[...]
    c1 = c1_ref[...]
    m = jnp.maximum(c0, c1)
    lse = m + jnp.log(jnp.exp(c0 - m) + jnp.exp(c1 - m))
    key_ref[...] = lax.bitcast_convert_type(
        jnp.where(lab_ref[...] > 0, 0.0, lse - c0), jnp.int32)


_prep_call = pl.pallas_call(
    _prep_body,
    out_shape=jax.ShapeDtypeStruct((_B, _P), jnp.int32),
)


_NVEC = _P // 16
_UNROLL = 8


def _sc_mine_body(key_hbm, lab_hbm, mask_hbm, keyv, labv, maskv):
    wid = lax.axis_index("s") * 2 + lax.axis_index("c")

    @pl.when(wid < _B)
    def _():
        b = wid
        pltpu.sync_copy(key_hbm.at[pl.ds(b * _P, _P)], keyv)
        pltpu.sync_copy(lab_hbm.at[pl.ds(b * _P, _P)], labv)

        def popcount_pass(ref, pred):
            def body(i, cnt):
                base = i * (16 * _UNROLL)
                for u in range(_UNROLL):
                    cnt = cnt + plsc.all_reduce_population_count(
                        pred(ref[pl.ds(base + u * 16, 16)]))
                return cnt

            return lax.fori_loop(0, _NVEC // _UNROLL, body,
                                 jnp.zeros((16,), jnp.int32))

        npos = popcount_pass(labv, lambda v: v > 0)
        k_vec = jnp.minimum(npos * _NEG_RATIO, _P)

        def bis(_, carry):
            lo, hi = carry
            delta = hi - lo
            mid = lo + lax.shift_right_logical(delta, 1) + (delta & 1)
            g = popcount_pass(keyv, lambda v: v >= mid) >= k_vec
            return jnp.where(g, mid, lo), jnp.where(g, hi, mid - 1)

        lo0 = jnp.zeros((16,), jnp.int32)
        hi0 = jnp.full((16,), jnp.int32(0x7FFFFFFF))
        thr, _unused = lax.fori_loop(0, 31, bis, (lo0, hi0))

        lanes6 = lax.iota(jnp.int32, 16) * _ANCH

        def mk(j, carry):
            base = lanes6 + j * (16 * _ANCH)
            neg = plsc.load_gather(keyv, [base]) >= thr
            pos = plsc.load_gather(labv, [base]) > 0
            for a in range(1, _ANCH):
                neg = neg | (plsc.load_gather(keyv, [base + a]) >= thr)
                pos = pos | (plsc.load_gather(labv, [base + a]) > 0)
            sel = neg | pos
            maskv[pl.ds(j * 16, 16)] = jnp.where(sel, 1.0, 0.0).astype(jnp.float32)
            return carry

        lax.fori_loop(0, _CELLS // 16, mk, 0)
        pltpu.sync_copy(maskv, mask_hbm.at[pl.ds(b * _CELLS, _CELLS)])


@functools.cache
def _mine_sc():
    return functools.partial(
        pl.kernel,
        out_type=jax.ShapeDtypeStruct((_ROWS,), jnp.float32),
        mesh=plsc.VectorSubcoreMesh(core_axis_name="c", subcore_axis_name="s"),
        compiler_params=pltpu.CompilerParams(needs_layout_passes=False),
        scratch_types=[
            pltpu.VMEM((_P,), jnp.int32),
            pltpu.VMEM((_P,), jnp.int32),
            pltpu.VMEM((_CELLS,), jnp.float32),
        ],
    )(_sc_mine_body)


_LOG2E = 1.4426950408889634
_LN2 = 0.6931471805599453
_MSHIFT = 40.0 * _LOG2E


def _main_body(pid_ref, wt_ref, sel_ref, gt_ref, nll_ref):
    x = pid_ref[0]
    n2 = jnp.sum(x * x, axis=1, keepdims=True)
    scale = (_EMB_SCALE * _LOG2E) / jnp.maximum(jnp.sqrt(n2), 1e-12)
    xn = (x * scale).astype(jnp.bfloat16)
    gid = jnp.max(gt_ref[0], axis=1, keepdims=True)
    s = jnp.zeros((_RB, 1), jnp.float32)
    tgt2 = jnp.zeros((_RB, 1), jnp.float32)
    for c in range(_NPAD // _CB):
        wblk = wt_ref[c * _CB:(c + 1) * _CB, :]
        part2 = lax.dot_general(xn, wblk, (((1,), (1,)), ((), ())),
                                preferred_element_type=jnp.float32)
        e = jnp.exp2(part2 - _MSHIFT)
        sel = sel_ref[c * _CB:(c + 1) * _CB, :]
        s = s + jnp.dot(e, sel, preferred_element_type=jnp.float32)
        cols = c * _CB + lax.broadcasted_iota(jnp.int32, (_RB, _CB), 1)
        tgt2 = tgt2 + jnp.sum(jnp.where(cols == gid, part2, 0.0), axis=1,
                              keepdims=True)
    nll_ref[0] = (_MSHIFT - tgt2) * _LN2 + jnp.log(s)


_main_call = pl.pallas_call(
    _main_body,
    grid=(_GRID,),
    in_specs=[
        pl.BlockSpec((1, _RB, _D), lambda i: (i, 0, 0)),
        pl.BlockSpec((_NPAD, _D), lambda i: (0, 0)),
        pl.BlockSpec((_NPAD, 1), lambda i: (0, 0)),
        pl.BlockSpec((1, _RB, _ANCH), lambda i: (i, 0, 0)),
    ],
    out_specs=pl.BlockSpec((1, _RB, 1), lambda i: (i, 0, 0)),
    out_shape=jax.ShapeDtypeStruct((_GRID, _RB, 1), jnp.float32),
)


def _finish_body(nll_ref, mask_ref, out_ref):
    nll = nll_ref[...]
    msk = mask_ref[...]
    ssum = jnp.sum(nll * msk)
    cnt = jnp.sum(msk)
    out_ref[...] = jnp.broadcast_to(ssum / jnp.maximum(cnt, 1.0), (1, 1))


_finish_call = pl.pallas_call(
    _finish_body,
    out_shape=jax.ShapeDtypeStruct((1, 1), jnp.float32),
)


def kernel(img_path, confidence, predicted_locations, predicted_ids, labels,
           gt_locations, gt_ids, W_cls, b_cls):
    c0 = confidence[..., 0]
    c1 = confidence[..., 1]
    key = _prep_call(c0, c1, labels)
    mask = _mine_sc()(key.reshape(-1), labels.reshape(-1))
    pid = predicted_ids.reshape(_GRID, _RB, _D)
    wt = jnp.pad(W_cls.astype(jnp.bfloat16), ((0, _NPAD - _NID), (0, 0)))
    sel = jnp.pad(jnp.ones((_NID, 1), jnp.float32), ((0, _NPAD - _NID), (0, 0)))
    nll = _main_call(pid, wt, sel, gt_ids.reshape(_GRID, _RB, _ANCH))
    loss2 = _finish_call(nll.reshape(64, 128), mask.reshape(64, 128))
    loss = loss2[0, 0]
    nT = jnp.array(gt_locations.shape[0], dtype=jnp.int32)
    return (loss, loss, nT)

# --- scband reference (transcript-rebuilt; emitter-appended) ---
"""Pipeline reference for scband-multi-box-loss-10350871183831 (READ-ONLY COPY).

The authoritative reference and input builder live on the scoring server;
editing this copy changes nothing except your own understanding.
"""

import jax, jax.numpy as jnp
import numpy as np
import math

B, Hh, Ww, A = 8, 32, 32, 6
NUM_PRIORS = Hh * Ww * A
EMB_DIM = 128
NID = 5000
NUM_CLASSES = 2
EMB_SCALE = math.sqrt(2) * math.log(NID - 1)
NEG_RATIO = 15


def hard_negative_mining(loss, labels, neg_pos_ratio):
    # torch box_utils.hard_negative_mining: keep all positives plus the
    # neg_pos_ratio*num_pos highest-loss negatives (rank via double argsort).
    pos_mask = labels > 0
    num_pos = jnp.sum(pos_mask.astype(jnp.int32), axis=1, keepdims=True)
    num_neg = num_pos * neg_pos_ratio
    loss = jnp.where(pos_mask, -jnp.inf, loss)
    indexes = jnp.argsort(-loss, axis=1)
    orders = jnp.argsort(indexes, axis=1)
    neg_mask = orders < num_neg
    return pos_mask | neg_mask


def setup_inputs(seed: int = 0) -> dict:
    key = jax.random.key(seed)
    ks = jax.random.split(key, 8)
    confidence = jax.random.normal(ks[0], (B, NUM_PRIORS, NUM_CLASSES), dtype=jnp.float32)
    predicted_locations = jax.random.normal(ks[1], (B, NUM_PRIORS, 4), dtype=jnp.float32)
    predicted_ids = jax.random.normal(ks[2], (B, Hh, Ww, EMB_DIM), dtype=jnp.float32)
    labels = jax.random.randint(ks[3], (B, NUM_PRIORS), 0, 2, dtype=jnp.int32)
    gt_locations = jax.random.normal(ks[4], (B, NUM_PRIORS, 4), dtype=jnp.float32)
    gt_ids = jax.random.randint(ks[5], (B, NUM_PRIORS), 0, NID, dtype=jnp.int32)
    W_cls = jax.random.normal(ks[6], (NID, EMB_DIM), dtype=jnp.float32) * (1.0 / math.sqrt(EMB_DIM))
    b_cls = jnp.zeros((NID,), dtype=jnp.float32)
    return {
        "img_path": 0,
        "confidence": confidence,
        "predicted_locations": predicted_locations,
        "predicted_ids": predicted_ids,
        "labels": labels,
        "gt_locations": gt_locations,
        "gt_ids": gt_ids,
        "W_cls": W_cls,
        "b_cls": b_cls,
    }


def reference(img_path, confidence, predicted_locations, predicted_ids, labels,
              gt_locations, gt_ids, W_cls, b_cls):
    # with torch.no_grad(): background log-softmax loss for mining
    logp = jax.nn.log_softmax(confidence, axis=2)
    conf_loss = jax.lax.stop_gradient(-logp[:, :, 0])
    emb_mask = hard_negative_mining(conf_loss, labels, NEG_RATIO)  # [B, P] bool

    # mask_splitter: reshape priors to [B, H, W, A]; mask.max(3) / gid.max(3)
    mask = jnp.any(emb_mask.reshape(B, Hh, Ww, A), axis=3)          # [B, H, W]
    gid = jnp.max(gt_ids.reshape(B, Hh, Ww, A), axis=3)             # [B, H, W]

    # pid = emb_scale * F.normalize(pid); logits = classifier(pid)
    norm = jnp.maximum(jnp.linalg.norm(predicted_ids, axis=-1, keepdims=True), 1e-12)
    pid = EMB_SCALE * predicted_ids / norm                           # [B, H, W, EMB]
    logits = jnp.einsum('bhwd,nd->bhwn', pid, W_cls) + b_cls         # [B, H, W, NID]

    # cross_entropy(logits[mask], gid[mask], ignore_index=-1) expressed as
    # a masked mean (mathematically identical to selecting then reducing).
    valid = mask & (gid != -1)
    logq = jax.nn.log_softmax(logits, axis=-1)
    gid_safe = jnp.clip(gid, 0, NID - 1)
    nll = -jnp.take_along_axis(logq, gid_safe[..., None], axis=-1)[..., 0]
    nll = jnp.where(valid, nll, 0.0)
    denom = jnp.maximum(jnp.sum(valid.astype(jnp.float32)), 1.0)
    loss = jnp.sum(nll) / denom
    nT = gt_locations.shape[0]
    return (loss, loss, jnp.array(nT, dtype=jnp.int32))

if __name__ == "__main__":
    import jax
    _d = setup_inputs()
    print(jax.jit(kernel)(*tuple(_d.values())))

</pallas_src>

<mosaic_0001>
#map = affine_map<(d0, d1) -> (0)>
module attributes {stable_mosaic.version = 14 : i64} {
  func.func @_sc_mine_body(%arg0: i32, %arg1: i32, %arg2: memref<49152xi32, #tpu.memory_space<hbm>>, %arg3: memref<49152xi32, #tpu.memory_space<hbm>>, %arg4: memref<8192xf32, #tpu.memory_space<hbm>>, %arg5: memref<6144xi32, #tpu.memory_space<vmem>>, %arg6: memref<6144xi32, #tpu.memory_space<vmem>>, %arg7: memref<1024xf32, #tpu.memory_space<vmem>>) attributes {dimension_semantics = [#tpu.dimension_semantics<core_parallel>, #tpu.dimension_semantics<subcore_parallel>], iteration_bounds = array<i64: 2, 16>, scalar_prefetch = 0 : i64, scratch_operands = 3 : i64, tpu.core_type = #tpu.core_type<sc_vector_subcore>, window_params = [{transform_indices = #map}, {transform_indices = #map}, {transform_indices = #map}]} {
    %mul3A = arith.constant 2 : i32
    %mul3A_0 = arith.muli %arg1, %mul3A : i32
    %add3A = arith.addi %mul3A_0, %arg0 : i32
    %lt3A = arith.constant 8 : i32
    %lt3A_1 = arith.cmpi slt, %add3A, %lt3A : i32
    %convert_element_type3A = arith.extui %lt3A_1 : i1 to i32
    %cond3A = arith.constant 0 : i32
    %cond3A_2 = arith.cmpi ne, %convert_element_type3A, %cond3A : i32
    scf.if %cond3A_2 {
      %mul3A_3 = arith.constant 6144 : i32
      %mul3A_4 = arith.muli %add3A, %mul3A_3 : i32
      "tpu.region"() ({
        %run_scoped3A = tpu.sem_alloc : memref<!tpu.dma_semaphore, #tpu.memory_space<semaphore_mem>>
        %dma_start3A = tpu.memref_slice %arg2[%mul3A_4] : memref<49152xi32, #tpu.memory_space<hbm>> -> memref<6144xi32, #tpu.memory_space<hbm>>
        %dma_start3A_39 = tpu.memref_slice %arg2[%mul3A_4] : memref<49152xi32, #tpu.memory_space<hbm>> -> memref<6144xi32, #tpu.memory_space<hbm>>
        tpu.enqueue_dma source(%dma_start3A_39 : memref<6144xi32, #tpu.memory_space<hbm>>) target(%arg5 : memref<6144xi32, #tpu.memory_space<vmem>>) target_semaphore(%run_scoped3A : memref<!tpu.dma_semaphore, #tpu.memory_space<semaphore_mem>>)
        %dma_wait3A = tpu.memref_slice %arg2[%mul3A_4] : memref<49152xi32, #tpu.memory_space<hbm>> -> memref<6144xi32, #tpu.memory_space<hbm>>
        %dma_wait3A_40 = tpu.memref_slice %arg2[%mul3A_4] : memref<49152xi32, #tpu.memory_space<hbm>> -> memref<6144xi32, #tpu.memory_space<hbm>>
        tpu.wait_dma2 semaphore(%run_scoped3A : memref<!tpu.dma_semaphore, #tpu.memory_space<semaphore_mem>>) src(%dma_wait3A_40 : memref<6144xi32, #tpu.memory_space<hbm>>) dst(%arg5 : memref<6144xi32, #tpu.memory_space<vmem>>)
        tpu.yield
      }) : () -> ()
      %mul3A_5 = arith.constant 6144 : i32
      %mul3A_6 = arith.muli %add3A, %mul3A_5 : i32
      "tpu.region"() ({
        %run_scoped3A = tpu.sem_alloc : memref<!tpu.dma_semaphore, #tpu.memory_space<semaphore_mem>>
        %dma_start3A = tpu.memref_slice %arg3[%mul3A_6] : memref<49152xi32, #tpu.memory_space<hbm>> -> memref<6144xi32, #tpu.memory_space<hbm>>
        %dma_start3A_39 = tpu.memref_slice %arg3[%mul3A_6] : memref<49152xi32, #tpu.memory_space<hbm>> -> memref<6144xi32, #tpu.memory_space<hbm>>
        tpu.enqueue_dma source(%dma_start3A_39 : memref<6144xi32, #tpu.memory_space<hbm>>) target(%arg6 : memref<6144xi32, #tpu.memory_space<vmem>>) target_semaphore(%run_scoped3A : memref<!tpu.dma_semaphore, #tpu.memory_space<semaphore_mem>>)
        %dma_wait3A = tpu.memref_slice %arg3[%mul3A_6] : memref<49152xi32, #tpu.memory_space<hbm>> -> memref<6144xi32, #tpu.memory_space<hbm>>
        %dma_wait3A_40 = tpu.memref_slice %arg3[%mul3A_6] : memref<49152xi32, #tpu.memory_space<hbm>> -> memref<6144xi32, #tpu.memory_space<hbm>>
        tpu.wait_dma2 semaphore(%run_scoped3A : memref<!tpu.dma_semaphore, #tpu.memory_space<semaphore_mem>>) src(%dma_wait3A_40 : memref<6144xi32, #tpu.memory_space<hbm>>) dst(%arg6 : memref<6144xi32, #tpu.memory_space<vmem>>)
        tpu.yield
      }) : () -> ()
      %broadcast_in_dim3A = arith.constant 0 : i32
      %broadcast_in_dim3A_7 = vector.broadcast %broadcast_in_dim3A : i32 to vector<16xi32>
      %scan3A = arith.constant 0 : i32
      %scan3A_8 = arith.constant 48 : i32
      %scan3A_9 = arith.addi %scan3A, %scan3A_8 : i32
      %scan3A_10 = arith.constant 1 : i32
      %scan3A_11 = scf.for %scan3A_39 = %scan3A to %scan3A_9 step %scan3A_10 iter_args(%scan3A_40 = %broadcast_in_dim3A_7) -> (vector<16xi32>)  : i32 {
        %mul3A_41 = arith.constant 128 : i32
        %mul3A_42 = arith.muli %scan3A_39, %mul3A_41 : i32
        %add3A_43 = arith.constant 0 : i32
        %add3A_44 = arith.addi %mul3A_42, %add3A_43 : i32
        %get3A = arith.index_cast %add3A_44 : i32 to index
        %get3A_45 = tpu.vector_load %arg6[%get3A] {strides = array<i32>} : memref<6144xi32, #tpu.memory_space<vmem>>, vector<16xi32>,
        %gt3A = arith.constant 0 : i32
        %gt3A_46 = vector.broadcast %gt3A : i32 to vector<16xi32>
        %gt3A_47 = arith.cmpi sgt, %get3A_45, %gt3A_46 : vector<16xi32>
        %all_reduce_population_count3A = tpu.all_reduce %gt3A_47 {dim = 0 : i64, kind = #tpu.reduction_kind<sum>} : vector<16xi1> -> vector<16xi32>
        %add3A_48 = arith.addi %scan3A_40, %all_reduce_population_count3A : vector<16xi32>
        %add3A_49 = arith.constant 16 : i32
        %add3A_50 = arith.addi %mul3A_42, %add3A_49 : i32
        %get3A_51 = arith.index_cast %add3A_50 : i32 to index
        %get3A_52 = tpu.vector_load %arg6[%get3A_51] {strides = array<i32>} : memref<6144xi32, #tpu.memory_space<vmem>>, vector<16xi32>,
        %gt3A_53 = arith.constant 0 : i32
        %gt3A_54 = vector.broadcast %gt3A_53 : i32 to vector<16xi32>
        %gt3A_55 = arith.cmpi sgt, %get3A_52, %gt3A_54 : vector<16xi32>
        %all_reduce_population_count3A_56 = tpu.all_reduce %gt3A_55 {dim = 0 : i64, kind = #tpu.reduction_kind<sum>} : vector<16xi1> -> vector<16xi32>
        %add3A_57 = arith.addi %add3A_48, %all_reduce_population_count3A_56 : vector<16xi32>
        %add3A_58 = arith.constant 32 : i32
        %add3A_59 = arith.addi %mul3A_42, %add3A_58 : i32
        %get3A_60 = arith.index_cast %add3A_59 : i32 to index
        %get3A_61 = tpu.vector_load %arg6[%get3A_60] {strides = array<i32>} : memref<6144xi32, #tpu.memory_space<vmem>>, vector<16xi32>,
        %gt3A_62 = arith.constant 0 : i32
        %gt3A_63 = vector.broadcast %gt3A_62 : i32 to vector<16xi32>
        %gt3A_64 = arith.cmpi sgt, %get3A_61, %gt3A_63 : vector<16xi32>
        %all_reduce_population_count3A_65 = tpu.all_reduce %gt3A_64 {dim = 0 : i64, kind = #tpu.reduction_kind<sum>} : vector<16xi1> -> vector<16xi32>
        %add3A_66 = arith.addi %add3A_57, %all_reduce_population_count3A_65 : vector<16xi32>
        %add3A_67 = arith.constant 48 : i32
        %add3A_68 = arith.addi %mul3A_42, %add3A_67 : i32
        %get3A_69 = arith.index_cast %add3A_68 : i32 to index
        %get3A_70 = tpu.vector_load %arg6[%get3A_69] {strides = array<i32>} : memref<6144xi32, #tpu.memory_space<vmem>>, vector<16xi32>,
        %gt3A_71 = arith.constant 0 : i32
        %gt3A_72 = vector.broadcast %gt3A_71 : i32 to vector<16xi32>
        %gt3A_73 = arith.cmpi sgt, %get3A_70, %gt3A_72 : vector<16xi32>
        %all_reduce_population_count3A_74 = tpu.all_reduce %gt3A_73 {dim = 0 : i64, kind = #tpu.reduction_kind<sum>} : vector<16xi1> -> vector<16xi32>
        %add3A_75 = arith.addi %add3A_66, %all_reduce_population_count3A_74 : vector<16xi32>
        %add3A_76 = arith.constant 64 : i32
        %add3A_77 = arith.addi %mul3A_42, %add3A_76 : i32
        %get3A_78 = arith.index_cast %add3A_77 : i32 to index
        %get3A_79 = tpu.vector_load %arg6[%get3A_78] {strides = array<i32>} : memref<6144xi32, #tpu.memory_space<vmem>>, vector<16xi32>,
        %gt3A_80 = arith.constant 0 : i32
        %gt3A_81 = vector.broadcast %gt3A_80 : i32 to vector<16xi32>
        %gt3A_82 = arith.cmpi sgt, %get3A_79, %gt3A_81 : vector<16xi32>
        %all_reduce_population_count3A_83 = tpu.all_reduce %gt3A_82 {dim = 0 : i64, kind = #tpu.reduction_kind<sum>} : vector<16xi1> -> vector<16xi32>
        %add3A_84 = arith.addi %add3A_75, %all_reduce_population_count3A_83 : vector<16xi32>
        %add3A_85 = arith.constant 80 : i32
        %add3A_86 = arith.addi %mul3A_42, %add3A_85 : i32
        %get3A_87 = arith.index_cast %add3A_86 : i32 to index
        %get3A_88 = tpu.vector_load %arg6[%get3A_87] {strides = array<i32>} : memref<6144xi32, #tpu.memory_space<vmem>>, vector<16xi32>,
        %gt3A_89 = arith.constant 0 : i32
        %gt3A_90 = vector.broadcast %gt3A_89 : i32 to vector<16xi32>
        %gt3A_91 = arith.cmpi sgt, %get3A_88, %gt3A_90 : vector<16xi32>
        %all_reduce_population_count3A_92 = tpu.all_reduce %gt3A_91 {dim = 0 : i64, kind = #tpu.reduction_kind<sum>} : vector<16xi1> -> vector<16xi32>
        %add3A_93 = arith.addi %add3A_84, %all_reduce_population_count3A_92 : vector<16xi32>
        %add3A_94 = arith.constant 96 : i32
        %add3A_95 = arith.addi %mul3A_42, %add3A_94 : i32
        %get3A_96 = arith.index_cast %add3A_95 : i32 to index
        %get3A_97 = tpu.vector_load %arg6[%get3A_96] {strides = array<i32>} : memref<6144xi32, #tpu.memory_space<vmem>>, vector<16xi32>,
        %gt3A_98 = arith.constant 0 : i32
        %gt3A_99 = vector.broadcast %gt3A_98 : i32 to vector<16xi32>
        %gt3A_100 = arith.cmpi sgt, %get3A_97, %gt3A_99 : vector<16xi32>
        %all_reduce_population_count3A_101 = tpu.all_reduce %gt3A_100 {dim = 0 : i64, kind = #tpu.reduction_kind<sum>} : vector<16xi1> -> vector<16xi32>
        %add3A_102 = arith.addi %add3A_93, %all_reduce_population_count3A_101 : vector<16xi32>
        %add3A_103 = arith.constant 112 : i32
        %add3A_104 = arith.addi %mul3A_42, %add3A_103 : i32
        %get3A_105 = arith.index_cast %add3A_104 : i32 to index
        %get3A_106 = tpu.vector_load %arg6[%get3A_105] {strides = array<i32>} : memref<6144xi32, #tpu.memory_space<vmem>>, vector<16xi32>,
        %gt3A_107 = arith.constant 0 : i32
        %gt3A_108 = vector.broadcast %gt3A_107 : i32 to vector<16xi32>
        %gt3A_109 = arith.cmpi sgt, %get3A_106, %gt3A_108 : vector<16xi32>
        %all_reduce_population_count3A_110 = tpu.all_reduce %gt3A_109 {dim = 0 : i64, kind = #tpu.reduction_kind<sum>} : vector<16xi1> -> vector<16xi32>
        %add3A_111 = arith.addi %add3A_102, %all_reduce_population_count3A_110 : vector<16xi32>
        scf.yield %add3A_111 : vector<16xi32>
      }
      %scan3A_12 = arith.constant 48 : i32
      %mul3A_13 = arith.constant 15 : i32
      %mul3A_14 = vector.broadcast %mul3A_13 : i32 to vector<16xi32>
      %mul3A_15 = arith.muli %scan3A_11, %mul3A_14 : vector<16xi32>
      %min3A = arith.constant 6144 : i32
      %min3A_16 = vector.broadcast %min3A : i32 to vector<16xi32>
      %min3A_17 = arith.minsi %mul3A_15, %min3A_16 : vector<16xi32>
      %broadcast_in_dim3A_18 = arith.constant 0 : i32
      %broadcast_in_dim3A_19 = vector.broadcast %broadcast_in_dim3A_18 : i32 to vector<16xi32>
      %broadcast_in_dim3A_20 = arith.constant 2147483647 : i32
      %broadcast_in_dim3A_21 = vector.broadcast %broadcast_in_dim3A_20 : i32 to vector<16xi32>
      %scan3A_22 = arith.constant 0 : i32
      %scan3A_23 = arith.constant 31 : i32
      %scan3A_24 = arith.addi %scan3A_22, %scan3A_23 : i32
      %scan3A_25 = arith.constant 1 : i32
      %scan3A_26:2 = scf.for %scan3A_39 = %scan3A_22 to %scan3A_24 step %scan3A_25 iter_args(%scan3A_40 = %broadcast_in_dim3A_19, %scan3A_41 = %broadcast_in_dim3A_21) -> (vector<16xi32>, vector<16xi32>)  : i32 {
        %sub3A = arith.subi %scan3A_41, %scan3A_40 : vector<16xi32>
        %shift_right_logical3A = arith.constant 1 : i32
        %shift_right_logical3A_42 = vector.broadcast %shift_right_logical3A : i32 to vector<16xi32>
        %shift_right_logical3A_43 = arith.shrui %sub3A, %shift_right_logical3A_42 : vector<16xi32>
        %add3A_44 = arith.addi %scan3A_40, %shift_right_logical3A_43 : vector<16xi32>
        %and3A = arith.constant 1 : i32
        %and3A_45 = vector.broadcast %and3A : i32 to vector<16xi32>
        %and3A_46 = arith.andi %sub3A, %and3A_45 : vector<16xi32>
        %add3A_47 = arith.addi %add3A_44, %and3A_46 : vector<16xi32>
        %broadcast_in_dim3A_48 = arith.constant 0 : i32
        %broadcast_in_dim3A_49 = vector.broadcast %broadcast_in_dim3A_48 : i32 to vector<16xi32>
        %scan3A_50 = arith.constant 0 : i32
        %scan3A_51 = arith.constant 48 : i32
        %scan3A_52 = arith.addi %scan3A_50, %scan3A_51 : i32
        %scan3A_53 = arith.constant 1 : i32
        %scan3A_54 = scf.for %scan3A_60 = %scan3A_50 to %scan3A_52 step %scan3A_53 iter_args(%scan3A_61 = %broadcast_in_dim3A_49) -> (vector<16xi32>)  : i32 {
          %mul3A_62 = arith.constant 128 : i32
          %mul3A_63 = arith.muli %scan3A_60, %mul3A_62 : i32
          %add3A_64 = arith.constant 0 : i32
          %add3A_65 = arith.addi %mul3A_63, %add3A_64 : i32
          %get3A = arith.index_cast %add3A_65 : i32 to index
          %get3A_66 = tpu.vector_load %arg5[%get3A] {strides = array<i32>} : memref<6144xi32, #tpu.memory_space<vmem>>, vector<16xi32>,
          %ge3A_67 = arith.cmpi sge, %get3A_66, %add3A_47 : vector<16xi32>
          %all_reduce_population_count3A = tpu.all_reduce %ge3A_67 {dim = 0 : i64, kind = #tpu.reduction_kind<sum>} : vector<16xi1> -> vector<16xi32>
          %add3A_68 = arith.addi %scan3A_61, %all_reduce_population_count3A : vector<16xi32>
          %add3A_69 = arith.constant 16 : i32
          %add3A_70 = arith.addi %mul3A_63, %add3A_69 : i32
          %get3A_71 = arith.index_cast %add3A_70 : i32 to index
          %get3A_72 = tpu.vector_load %arg5[%get3A_71] {strides = array<i32>} : memref<6144xi32, #tpu.memory_space<vmem>>, vector<16xi32>,
          %ge3A_73 = arith.cmpi sge, %get3A_72, %add3A_47 : vector<16xi32>
          %all_reduce_population_count3A_74 = tpu.all_reduce %ge3A_73 {dim = 0 : i64, kind = #tpu.reduction_kind<sum>} : vector<16xi1> -> vector<16xi32>
          %add3A_75 = arith.addi %add3A_68, %all_reduce_population_count3A_74 : vector<16xi32>
          %add3A_76 = arith.constant 32 : i32
          %add3A_77 = arith.addi %mul3A_63, %add3A_76 : i32
          %get3A_78 = arith.index_cast %add3A_77 : i32 to index
          %get3A_79 = tpu.vector_load %arg5[%get3A_78] {strides = array<i32>} : memref<6144xi32, #tpu.memory_space<vmem>>, vector<16xi32>,
          %ge3A_80 = arith.cmpi sge, %get3A_79, %add3A_47 : vector<16xi32>
          %all_reduce_population_count3A_81 = tpu.all_reduce %ge3A_80 {dim = 0 : i64, kind = #tpu.reduction_kind<sum>} : vector<16xi1> -> vector<16xi32>
          %add3A_82 = arith.addi %add3A_75, %all_reduce_population_count3A_81 : vector<16xi32>
          %add3A_83 = arith.constant 48 : i32
          %add3A_84 = arith.addi %mul3A_63, %add3A_83 : i32
          %get3A_85 = arith.index_cast %add3A_84 : i32 to index
          %get3A_86 = tpu.vector_load %arg5[%get3A_85] {strides = array<i32>} : memref<6144xi32, #tpu.memory_space<vmem>>, vector<16xi32>,
          %ge3A_87 = arith.cmpi sge, %get3A_86, %add3A_47 : vector<16xi32>
          %all_reduce_population_count3A_88 = tpu.all_reduce %ge3A_87 {dim = 0 : i64, kind = #tpu.reduction_kind<sum>} : vector<16xi1> -> vector<16xi32>
          %add3A_89 = arith.addi %add3A_82, %all_reduce_population_count3A_88 : vector<16xi32>
          %add3A_90 = arith.constant 64 : i32
          %add3A_91 = arith.addi %mul3A_63, %add3A_90 : i32
          %get3A_92 = arith.index_cast %add3A_91 : i32 to index
          %get3A_93 = tpu.vector_load %arg5[%get3A_92] {strides = array<i32>} : memref<6144xi32, #tpu.memory_space<vmem>>, vector<16xi32>,
          %ge3A_94 = arith.cmpi sge, %get3A_93, %add3A_47 : vector<16xi32>
          %all_reduce_population_count3A_95 = tpu.all_reduce %ge3A_94 {dim = 0 : i64, kind = #tpu.reduction_kind<sum>} : vector<16xi1> -> vector<16xi32>
          %add3A_96 = arith.addi %add3A_89, %all_reduce_population_count3A_95 : vector<16xi32>
          %add3A_97 = arith.constant 80 : i32
          %add3A_98 = arith.addi %mul3A_63, %add3A_97 : i32
          %get3A_99 = arith.index_cast %add3A_98 : i32 to index
          %get3A_100 = tpu.vector_load %arg5[%get3A_99] {strides = array<i32>} : memref<6144xi32, #tpu.memory_space<vmem>>, vector<16xi32>,
          %ge3A_101 = arith.cmpi sge, %get3A_100, %add3A_47 : vector<16xi32>
          %all_reduce_population_count3A_102 = tpu.all_reduce %ge3A_101 {dim = 0 : i64, kind = #tpu.reduction_kind<sum>} : vector<16xi1> -> vector<16xi32>
          %add3A_103 = arith.addi %add3A_96, %all_reduce_population_count3A_102 : vector<16xi32>
          %add3A_104 = arith.constant 96 : i32
          %add3A_105 = arith.addi %mul3A_63, %add3A_104 : i32
          %get3A_106 = arith.index_cast %add3A_105 : i32 to index
          %get3A_107 = tpu.vector_load %arg5[%get3A_106] {strides = array<i32>} : memref<6144xi32, #tpu.memory_space<vmem>>, vector<16xi32>,
          %ge3A_108 = arith.cmpi sge, %get3A_107, %add3A_47 : vector<16xi32>
          %all_reduce_population_count3A_109 = tpu.all_reduce %ge3A_108 {dim = 0 : i64, kind = #tpu.reduction_kind<sum>} : vector<16xi1> -> vector<16xi32>
          %add3A_110 = arith.addi %add3A_103, %all_reduce_population_count3A_109 : vector<16xi32>
          %add3A_111 = arith.constant 112 : i32
          %add3A_112 = arith.addi %mul3A_63, %add3A_111 : i32
          %get3A_113 = arith.index_cast %add3A_112 : i32 to index
          %get3A_114 = tpu.vector_load %arg5[%get3A_113] {strides = array<i32>} : memref<6144xi32, #tpu.memory_space<vmem>>, vector<16xi32>,
          %ge3A_115 = arith.cmpi sge, %get3A_114, %add3A_47 : vector<16xi32>
          %all_reduce_population_count3A_116 = tpu.all_reduce %ge3A_115 {dim = 0 : i64, kind = #tpu.reduction_kind<sum>} : vector<16xi1> -> vector<16xi32>
          %add3A_117 = arith.addi %add3A_110, %all_reduce_population_count3A_116 : vector<16xi32>
          scf.yield %add3A_117 : vector<16xi32>
        }
        %scan3A_55 = arith.constant 48 : i32
        %ge3A = arith.cmpi sge, %scan3A_54, %min3A_17 : vector<16xi32>
        %select_n3A = arith.select %ge3A, %add3A_47, %scan3A_40 : vector<16xi1>, vector<16xi32>
        %sub3A_56 = arith.constant 1 : i32
        %sub3A_57 = vector.broadcast %sub3A_56 : i32 to vector<16xi32>
        %sub3A_58 = arith.subi %add3A_47, %sub3A_57 : vector<16xi32>
        %select_n3A_59 = arith.select %ge3A, %scan3A_41, %sub3A_58 : vector<16xi1>, vector<16xi32>
        scf.yield %select_n3A, %select_n3A_59 : vector<16xi32>, vector<16xi32>
      }
      %scan3A_27 = arith.constant 31 : i32
      %iota3A = tpu.iota {dimensions = array<i32: 0>} : vector<16xi32>
      %mul3A_28 = arith.constant 6 : i32
      %mul3A_29 = vector.broadcast %mul3A_28 : i32 to vector<16xi32>
      %mul3A_30 = arith.muli %iota3A, %mul3A_29 : vector<16xi32>
      %scan3A_31 = arith.constant 0 : i32
      %scan3A_32 = arith.constant 0 : i32
      %scan3A_33 = arith.constant 64 : i32
      %scan3A_34 = arith.addi %scan3A_32, %scan3A_33 : i32
      %scan3A_35 = arith.constant 1 : i32
      scf.for %scan3A_39 = %scan3A_32 to %scan3A_34 step %scan3A_35  : i32 {
        %mul3A_40 = arith.constant 96 : i32
        %mul3A_41 = arith.muli %scan3A_39, %mul3A_40 : i32
        %add3A_42 = vector.broadcast %mul3A_41 : i32 to vector<16xi32>
        %add3A_43 = arith.addi %mul3A_30, %add3A_42 : vector<16xi32>
        %gather3A = tpu.vector_load_idx %arg5[%add3A_43] : memref<6144xi32, #tpu.memory_space<vmem>>[vector<16xi32>], vector<16xi32>,
        %ge3A = arith.cmpi sge, %gather3A, %scan3A_26#0 : vector<16xi32>
        %gather3A_44 = tpu.vector_load_idx %arg6[%add3A_43] : memref<6144xi32, #tpu.memory_space<vmem>>[vector<16xi32>], vector<16xi32>,
        %gt3A = arith.constant 0 : i32
        %gt3A_45 = vector.broadcast %gt3A : i32 to vector<16xi32>
        %gt3A_46 = arith.cmpi sgt, %gather3A_44, %gt3A_45 : vector<16xi32>
        %add3A_47 = arith.constant 1 : i32
        %add3A_48 = vector.broadcast %add3A_47 : i32 to vector<16xi32>
        %add3A_49 = arith.addi %add3A_43, %add3A_48 : vector<16xi32>
        %gather3A_50 = tpu.vector_load_idx %arg5[%add3A_49] : memref<6144xi32, #tpu.memory_space<vmem>>[vector<16xi32>], vector<16xi32>,
        %ge3A_51 = arith.cmpi sge, %gather3A_50, %scan3A_26#0 : vector<16xi32>
        %or3A = arith.ori %ge3A, %ge3A_51 : vector<16xi1>
        %add3A_52 = arith.constant 1 : i32
        %add3A_53 = vector.broadcast %add3A_52 : i32 to vector<16xi32>
        %add3A_54 = arith.addi %add3A_43, %add3A_53 : vector<16xi32>
        %gather3A_55 = tpu.vector_load_idx %arg6[%add3A_54] : memref<6144xi32, #tpu.memory_space<vmem>>[vector<16xi32>], vector<16xi32>,
        %gt3A_56 = arith.constant 0 : i32
        %gt3A_57 = vector.broadcast %gt3A_56 : i32 to vector<16xi32>
        %gt3A_58 = arith.cmpi sgt, %gather3A_55, %gt3A_57 : vector<16xi32>
        %or3A_59 = arith.ori %gt3A_46, %gt3A_58 : vector<16xi1>
        %add3A_60 = arith.constant 2 : i32
        %add3A_61 = vector.broadcast %add3A_60 : i32 to vector<16xi32>
        %add3A_62 = arith.addi %add3A_43, %add3A_61 : vector<16xi32>
        %gather3A_63 = tpu.vector_load_idx %arg5[%add3A_62] : memref<6144xi32, #tpu.memory_space<vmem>>[vector<16xi32>], vector<16xi32>,
        %ge3A_64 = arith.cmpi sge, %gather3A_63, %scan3A_26#0 : vector<16xi32>
        %or3A_65 = arith.ori %or3A, %ge3A_64 : vector<16xi1>
        %add3A_66 = arith.constant 2 : i32
        %add3A_67 = vector.broadcast %add3A_66 : i32 to vector<16xi32>
        %add3A_68 = arith.addi %add3A_43, %add3A_67 : vector<16xi32>
        %gather3A_69 = tpu.vector_load_idx %arg6[%add3A_68] : memref<6144xi32, #tpu.memory_space<vmem>>[vector<16xi32>], vector<16xi32>,
        %gt3A_70 = arith.constant 0 : i32
        %gt3A_71 = vector.broadcast %gt3A_70 : i32 to vector<16xi32>
        %gt3A_72 = arith.cmpi sgt, %gather3A_69, %gt3A_71 : vector<16xi32>
        %or3A_73 = arith.ori %or3A_59, %gt3A_72 : vector<16xi1>
        %add3A_74 = arith.constant 3 : i32
        %add3A_75 = vector.broadcast %add3A_74 : i32 to vector<16xi32>
        %add3A_76 = arith.addi %add3A_43, %add3A_75 : vector<16xi32>
        %gather3A_77 = tpu.vector_load_idx %arg5[%add3A_76] : memref<6144xi32, #tpu.memory_space<vmem>>[vector<16xi32>], vector<16xi32>,
        %ge3A_78 = arith.cmpi sge, %gather3A_77, %scan3A_26#0 : vector<16xi32>
        %or3A_79 = arith.ori %or3A_65, %ge3A_78 : vector<16xi1>
        %add3A_80 = arith.constant 3 : i32
        %add3A_81 = vector.broadcast %add3A_80 : i32 to vector<16xi32>
        %add3A_82 = arith.addi %add3A_43, %add3A_81 : vector<16xi32>
        %gather3A_83 = tpu.vector_load_idx %arg6[%add3A_82] : memref<6144xi32, #tpu.memory_space<vmem>>[vector<16xi32>], vector<16xi32>,
        %gt3A_84 = arith.constant 0 : i32
        %gt3A_85 = vector.broadcast %gt3A_84 : i32 to vector<16xi32>
        %gt3A_86 = arith.cmpi sgt, %gather3A_83, %gt3A_85 : vector<16xi32>
        %or3A_87 = arith.ori %or3A_73, %gt3A_86 : vector<16xi1>
        %add3A_88 = arith.constant 4 : i32
        %add3A_89 = vector.broadcast %add3A_88 : i32 to vector<16xi32>
        %add3A_90 = arith.addi %add3A_43, %add3A_89 : vector<16xi32>
        %gather3A_91 = tpu.vector_load_idx %arg5[%add3A_90] : memref<6144xi32, #tpu.memory_space<vmem>>[vector<16xi32>], vector<16xi32>,
        %ge3A_92 = arith.cmpi sge, %gather3A_91, %scan3A_26#0 : vector<16xi32>
        %or3A_93 = arith.ori %or3A_79, %ge3A_92 : vector<16xi1>
        %add3A_94 = arith.constant 4 : i32
        %add3A_95 = vector.broadcast %add3A_94 : i32 to vector<16xi32>
        %add3A_96 = arith.addi %add3A_43, %add3A_95 : vector<16xi32>
        %gather3A_97 = tpu.vector_load_idx %arg6[%add3A_96] : memref<6144xi32, #tpu.memory_space<vmem>>[vector<16xi32>], vector<16xi32>,
        %gt3A_98 = arith.constant 0 : i32
        %gt3A_99 = vector.broadcast %gt3A_98 : i32 to vector<16xi32>
        %gt3A_100 = arith.cmpi sgt, %gather3A_97, %gt3A_99 : vector<16xi32>
        %or3A_101 = arith.ori %or3A_87, %gt3A_100 : vector<16xi1>
        %add3A_102 = arith.constant 5 : i32
        %add3A_103 = vector.broadcast %add3A_102 : i32 to vector<16xi32>
        %add3A_104 = arith.addi %add3A_43, %add3A_103 : vector<16xi32>
        %gather3A_105 = tpu.vector_load_idx %arg5[%add3A_104] : memref<6144xi32, #tpu.memory_space<vmem>>[vector<16xi32>], vector<16xi32>,
        %ge3A_106 = arith.cmpi sge, %gather3A_105, %scan3A_26#0 : vector<16xi32>
        %or3A_107 = arith.ori %or3A_93, %ge3A_106 : vector<16xi1>
        %add3A_108 = arith.constant 5 : i32
        %add3A_109 = vector.broadcast %add3A_108 : i32 to vector<16xi32>
        %add3A_110 = arith.addi %add3A_43, %add3A_109 : vector<16xi32>
        %gather3A_111 = tpu.vector_load_idx %arg6[%add3A_110] : memref<6144xi32, #tpu.memory_space<vmem>>[vector<16xi32>], vector<16xi32>,
        %gt3A_112 = arith.constant 0 : i32
        %gt3A_113 = vector.broadcast %gt3A_112 : i32 to vector<16xi32>
        %gt3A_114 = arith.cmpi sgt, %gather3A_111, %gt3A_113 : vector<16xi32>
        %or3A_115 = arith.ori %or3A_101, %gt3A_114 : vector<16xi1>
        %or3A_116 = arith.ori %or3A_107, %or3A_115 : vector<16xi1>
        %jit3A = arith.constant 1.000000e+00 : f32
        %jit3A_117 = arith.constant 0.000000e+00 : f32
        %broadcast_in_dim3A_118 = vector.broadcast %jit3A : f32 to vector<16xf32>
        %broadcast_in_dim3A_119 = vector.broadcast %jit3A_117 : f32 to vector<16xf32>
        %select_n3A = arith.select %or3A_116, %broadcast_in_dim3A_118, %broadcast_in_dim3A_119 : vector<16xi1>, vector<16xf32>
        %mul3A_120 = arith.constant 16 : i32
        %mul3A_121 = arith.muli %scan3A_39, %mul3A_120 : i32
        %swap3A = arith.index_cast %mul3A_121 : i32 to index
        %swap3A_122 = tpu.vector_load %arg7[%swap3A] {strides = array<i32>} : memref<1024xf32, #tpu.memory_space<vmem>>, vector<16xf32>,
        tpu.vector_store %arg7[%swap3A], %select_n3A {strides = array<i32>} : memref<1024xf32, #tpu.memory_space<vmem>>, vector<16xf32>,
      }
      %scan3A_36 = arith.constant 64 : i32
      %mul3A_37 = arith.constant 1024 : i32
      %mul3A_38 = arith.muli %add3A, %mul3A_37 : i32
      "tpu.region"() ({
        %run_scoped3A = tpu.sem_alloc : memref<!tpu.dma_semaphore, #tpu.memory_space<semaphore_mem>>
        %dma_start3A = tpu.memref_slice %arg4[%mul3A_38] : memref<8192xf32, #tpu.memory_space<hbm>> -> memref<1024xf32, #tpu.memory_space<hbm>>
        %dma_start3A_39 = tpu.memref_slice %arg4[%mul3A_38] : memref<8192xf32, #tpu.memory_space<hbm>> -> memref<1024xf32, #tpu.memory_space<hbm>>
        tpu.enqueue_dma source(%arg7 : memref<1024xf32, #tpu.memory_space<vmem>>) target(%dma_start3A_39 : memref<1024xf32, #tpu.memory_space<hbm>>) target_semaphore(%run_scoped3A : memref<!tpu.dma_semaphore, #tpu.memory_space<semaphore_mem>>)
        %dma_wait3A = tpu.memref_slice %arg4[%mul3A_38] : memref<8192xf32, #tpu.memory_space<hbm>> -> memref<1024xf32, #tpu.memory_space<hbm>>
        %dma_wait3A_40 = tpu.memref_slice %arg4[%mul3A_38] : memref<8192xf32, #tpu.memory_space<hbm>> -> memref<1024xf32, #tpu.memory_space<hbm>>
        tpu.wait_dma2 semaphore(%run_scoped3A : memref<!tpu.dma_semaphore, #tpu.memory_space<semaphore_mem>>) src(%arg7 : memref<1024xf32, #tpu.memory_space<vmem>>) dst(%dma_wait3A_40 : memref<1024xf32, #tpu.memory_space<hbm>>)
        tpu.yield
      }) : () -> ()
    } else {
    }
    return
  }
}

module attributes {stable_mosaic.version = 14 : i64} {
  func.func @_prep_body(%arg0: memref<8x6144xf32, #tpu.memory_space<vmem>>, %arg1: memref<8x6144xf32, #tpu.memory_space<vmem>>, %arg2: memref<8x6144xi32, #tpu.memory_space<vmem>>, %arg3: memref<8x6144xi32, #tpu.memory_space<vmem>>) attributes {dimension_semantics = [], scalar_prefetch = 0 : i64, scratch_operands = 0 : i64, tpu.core_type = #tpu.core_type<tc>} {
    %get3A = arith.constant 0 : index
    %get3A_0 = arith.constant 0 : index
    %get3A_1 = vector.load %arg0[%get3A, %get3A_0] : memref<8x6144xf32, #tpu.memory_space<vmem>>, vector<8x6144xf32>
    %get3A_2 = arith.constant 0 : index
    %get3A_3 = arith.constant 0 : index
    %get3A_4 = vector.load %arg1[%get3A_2, %get3A_3] : memref<8x6144xf32, #tpu.memory_space<vmem>>, vector<8x6144xf32>
    %max3A = arith.maximumf %get3A_1, %get3A_4 : vector<8x6144xf32>
    %sub3A = arith.subf %get3A_1, %max3A : vector<8x6144xf32>
    %exp3A = math.exp %sub3A : vector<8x6144xf32>
    %sub3A_5 = arith.subf %get3A_4, %max3A : vector<8x6144xf32>
    %exp3A_6 = math.exp %sub3A_5 : vector<8x6144xf32>
    %add3A = arith.addf %exp3A, %exp3A_6 : vector<8x6144xf32>
    %log3A = math.log %add3A : vector<8x6144xf32>
    %add3A_7 = arith.addf %max3A, %log3A : vector<8x6144xf32>
    %get3A_8 = arith.constant 0 : index
    %get3A_9 = arith.constant 0 : index
    %get3A_10 = vector.load %arg2[%get3A_8, %get3A_9] : memref<8x6144xi32, #tpu.memory_space<vmem>>, vector<8x6144xi32>
    %gt3A = arith.constant 0 : i32
    %gt3A_11 = vector.broadcast %gt3A : i32 to vector<8x6144xi32>
    %gt3A_12 = arith.cmpi sgt, %get3A_10, %gt3A_11 : vector<8x6144xi32>
    %sub3A_13 = arith.subf %add3A_7, %get3A_1 : vector<8x6144xf32>
    %jit3A = arith.constant 0.000000e+00 : f32
    %broadcast_in_dim3A = vector.broadcast %jit3A : f32 to vector<8x6144xf32>
    %select_n3A = arith.select %gt3A_12, %broadcast_in_dim3A, %sub3A_13 : vector<8x6144xi1>, vector<8x6144xf32>
    %bitcast_convert_type3A = tpu.bitcast %select_n3A : vector<8x6144xf32> -> vector<8x6144xi32>
    %swap3A = arith.constant 0 : index
    %swap3A_14 = arith.constant 0 : index
    %swap3A_15 = vector.load %arg3[%swap3A, %swap3A_14] : memref<8x6144xi32, #tpu.memory_space<vmem>>, vector<8x6144xi32>
    tpu.vector_store %arg3[%swap3A, %swap3A_14], %bitcast_convert_type3A {strides = array<i32>} : memref<8x6144xi32, #tpu.memory_space<vmem>>, vector<8x6144xi32>,
    return
  }
}

module attributes {stable_mosaic.version = 14 : i64} {
  func.func @_main_body(%arg0: i32, %arg1: memref<1x512x128xf32, #tpu.memory_space<vmem>>, %arg2: memref<5120x128xbf16, #tpu.memory_space<vmem>>, %arg3: memref<5120x1xf32, #tpu.memory_space<vmem>>, %arg4: memref<1x512x6xi32, #tpu.memory_space<vmem>>, %arg5: memref<1x512x1xf32, #tpu.memory_space<vmem>>) attributes {dimension_semantics = [#tpu.dimension_semantics<arbitrary>], iteration_bounds = array<i64: 16>, scalar_prefetch = 0 : i64, scratch_operands = 0 : i64, tpu.core_type = #tpu.core_type<tc>, window_params = [{transform_indices = @transform_0, window_bounds = array<i64: 1, 512, 128>}, {pipeline_mode = #tpu.pipeline_mode<synchronous>, transform_indices = @transform_1, window_bounds = array<i64: 5120, 128>}, {pipeline_mode = #tpu.pipeline_mode<synchronous>, transform_indices = @transform_2, window_bounds = array<i64: 5120, 1>}, {transform_indices = @transform_3, window_bounds = array<i64: 1, 512, 6>}, {transform_indices = @transform_4, window_bounds = array<i64: 1, 512, 1>}]} {
    %get3A = arith.constant 0 : index
    %get3A_0 = arith.constant 0 : index
    %get3A_1 = arith.constant 0 : index
    %get3A_2 = vector.load %arg1[%get3A, %get3A_0, %get3A_1] : memref<1x512x128xf32, #tpu.memory_space<vmem>>, vector<1x512x128xf32>
    %get3A_3 = vector.shape_cast %get3A_2 : vector<1x512x128xf32> to vector<512x128xf32>
    %mul3A = arith.mulf %get3A_3, %get3A_3 : vector<512x128xf32>
    %reduce_sum3A = arith.constant dense<0.000000e+00> : vector<512xf32>
    %reduce_sum3A_4 = vector.multi_reduction <add>, %mul3A, %reduce_sum3A [1] : vector<512x128xf32> to vector<512xf32>
    %broadcast_in_dim3A = vector.shape_cast %reduce_sum3A_4 : vector<512xf32> to vector<512x1xf32>
    %sqrt3A = math.sqrt %broadcast_in_dim3A : vector<512x1xf32>
    %max3A = arith.constant 9.99999996E-13 : f32
    %max3A_5 = vector.broadcast %max3A : f32 to vector<512x1xf32>
    %max3A_6 = arith.maximumf %sqrt3A, %max3A_5 : vector<512x1xf32>
    %div3A = arith.constant 17.3770409 : f32
    %div3A_7 = vector.broadcast %div3A : f32 to vector<512x1xf32>
    %div3A_8 = arith.divf %div3A_7, %max3A_6 : vector<512x1xf32>
    %mul3A_9 = vector.broadcast %div3A_8 : vector<512x1xf32> to vector<512x128xf32>
    %mul3A_10 = arith.mulf %get3A_3, %mul3A_9 : vector<512x128xf32>
    %convert_element_type3A = arith.truncf %mul3A_10 : vector<512x128xf32> to vector<512x128xbf16>
    %get3A_11 = arith.constant 0 : index
    %get3A_12 = arith.constant 0 : index
    %get3A_13 = arith.constant 0 : index
    %get3A_14 = vector.load %arg4[%get3A_11, %get3A_12, %get3A_13] : memref<1x512x6xi32, #tpu.memory_space<vmem>>, vector<1x512x6xi32>
    %get3A_15 = vector.shape_cast %get3A_14 : vector<1x512x6xi32> to vector<512x6xi32>
    %reduce_max3A = arith.constant dense<-2147483648> : vector<512xi32>
    %reduce_max3A_16 = vector.multi_reduction <maxsi>, %get3A_15, %reduce_max3A [1] : vector<512x6xi32> to vector<512xi32>
    %broadcast_in_dim3A_17 = vector.shape_cast %reduce_max3A_16 : vector<512xi32> to vector<512x1xi32>
    %broadcast_in_dim3A_18 = arith.constant 0.000000e+00 : f32
    %broadcast_in_dim3A_19 = vector.broadcast %broadcast_in_dim3A_18 : f32 to vector<512x1xf32>
    %broadcast_in_dim3A_20 = arith.constant 0.000000e+00 : f32
    %broadcast_in_dim3A_21 = vector.broadcast %broadcast_in_dim3A_20 : f32 to vector<512x1xf32>
    %get3A_22 = arith.constant 0 : index
    %get3A_23 = arith.constant 0 : index
    %get3A_24 = vector.load %arg2[%get3A_22, %get3A_23] : memref<5120x128xbf16, #tpu.memory_space<vmem>>, vector<128x128xbf16>
    %dot_general3A = arith.constant dense<0.000000e+00> : vector<512x128xf32>
    %dot_general3A_25 = tpu.matmul %convert_element_type3A, %get3A_24, %dot_general3A {dimension_numbers = #tpu.dot_dimension_numbers<[1], [1], [0], [0], [0, 0, 1, 0], [], []>, transpose_lhs_hint = false} : vector<512x128xbf16>, vector<128x128xbf16>, vector<512x128xf32> -> vector<512x128xf32>
    %sub3A = arith.constant 5.770780e+01 : f32
    %sub3A_26 = vector.broadcast %sub3A : f32 to vector<512x128xf32>
    %sub3A_27 = arith.subf %dot_general3A_25, %sub3A_26 : vector<512x128xf32>
    %exp23A = math.exp2 %sub3A_27 : vector<512x128xf32>
    %get3A_28 = arith.constant 0 : index
    %get3A_29 = arith.constant 0 : index
    %get3A_30 = vector.load %arg3[%get3A_28, %get3A_29] : memref<5120x1xf32, #tpu.memory_space<vmem>>, vector<128x1xf32>
    %dot_general3A_31 = arith.constant dense<0.000000e+00> : vector<512x1xf32>
    %dot_general3A_32 = tpu.matmul %exp23A, %get3A_30, %dot_general3A_31 {dimension_numbers = #tpu.dot_dimension_numbers<[1], [0], [0], [1], [0, 0, 1, 1], [], []>, transpose_lhs_hint = false} : vector<512x128xf32>, vector<128x1xf32>, vector<512x1xf32> -> vector<512x1xf32>
    %add3A = arith.addf %broadcast_in_dim3A_19, %dot_general3A_32 : vector<512x1xf32>
    %iota3A = tpu.iota {dimensions = array<i32: 1>} : vector<512x128xi32>
    %add3A_33 = arith.constant 0 : i32
    %add3A_34 = vector.broadcast %add3A_33 : i32 to vector<512x128xi32>
    %add3A_35 = arith.addi %add3A_34, %iota3A : vector<512x128xi32>
    %eq3A = vector.broadcast %broadcast_in_dim3A_17 : vector<512x1xi32> to vector<512x128xi32>
    %eq3A_36 = arith.cmpi eq, %add3A_35, %eq3A : vector<512x128xi32>
    %jit3A = arith.constant 0.000000e+00 : f32
    %broadcast_in_dim3A_37 = vector.broadcast %jit3A : f32 to vector<512x128xf32>
    %select_n3A = arith.select %eq3A_36, %dot_general3A_25, %broadcast_in_dim3A_37 : vector<512x128xi1>, vector<512x128xf32>
    %reduce_sum3A_38 = arith.constant dense<0.000000e+00> : vector<512xf32>
    %reduce_sum3A_39 = vector.multi_reduction <add>, %select_n3A, %reduce_sum3A_38 [1] : vector<512x128xf32> to vector<512xf32>
    %broadcast_in_dim3A_40 = vector.shape_cast %reduce_sum3A_39 : vector<512xf32> to vector<512x1xf32>
    %add3A_41 = arith.addf %broadcast_in_dim3A_21, %broadcast_in_dim3A_40 : vector<512x1xf32>
    %get3A_42 = arith.constant 128 : index
    %get3A_43 = arith.constant 0 : index
    %get3A_44 = vector.load %arg2[%get3A_42, %get3A_43] : memref<5120x128xbf16, #tpu.memory_space<vmem>>, vector<128x128xbf16>
    %dot_general3A_45 = arith.constant dense<0.000000e+00> : vector<512x128xf32>
    %dot_general3A_46 = tpu.matmul %convert_element_type3A, %get3A_44, %dot_general3A_45 {dimension_numbers = #tpu.dot_dimension_numbers<[1], [1], [0], [0], [0, 0, 1, 0], [], []>, transpose_lhs_hint = false} : vector<512x128xbf16>, vector<128x128xbf16>, vector<512x128xf32> -> vector<512x128xf32>
    %sub3A_47 = arith.constant 5.770780e+01 : f32
    %sub3A_48 = vector.broadcast %sub3A_47 : f32 to vector<512x128xf32>
    %sub3A_49 = arith.subf %dot_general3A_46, %sub3A_48 : vector<512x128xf32>
    %exp23A_50 = math.exp2 %sub3A_49 : vector<512x128xf32>
    %get3A_51 = arith.constant 128 : index
    %get3A_52 = arith.constant 0 : index
    %get3A_53 = vector.load %arg3[%get3A_51, %get3A_52] : memref<5120x1xf32, #tpu.memory_space<vmem>>, vector<128x1xf32>
    %dot_general3A_54 = arith.constant dense<0.000000e+00> : vector<512x1xf32>
    %dot_general3A_55 = tpu.matmul %exp23A_50, %get3A_53, %dot_general3A_54 {dimension_numbers = #tpu.dot_dimension_numbers<[1], [0], [0], [1], [0, 0, 1, 1], [], []>, transpose_lhs_hint = false} : vector<512x128xf32>, vector<128x1xf32>, vector<512x1xf32> -> vector<512x1xf32>
    %add3A_56 = arith.addf %add3A, %dot_general3A_55 : vector<512x1xf32>
    %iota3A_57 = tpu.iota {dimensions = array<i32: 1>} : vector<512x128xi32>
    %add3A_58 = arith.constant 128 : i32
    %add3A_59 = vector.broadcast %add3A_58 : i32 to vector<512x128xi32>
    %add3A_60 = arith.addi %add3A_59, %iota3A_57 : vector<512x128xi32>
    %eq3A_61 = vector.broadcast %broadcast_in_dim3A_17 : vector<512x1xi32> to vector<512x128xi32>
    %eq3A_62 = arith.cmpi eq, %add3A_60, %eq3A_61 : vector<512x128xi32>
    %jit3A_63 = arith.constant 0.000000e+00 : f32
    %broadcast_in_dim3A_64 = vector.broadcast %jit3A_63 : f32 to vector<512x128xf32>
    %select_n3A_65 = arith.select %eq3A_62, %dot_general3A_46, %broadcast_in_dim3A_64 : vector<512x128xi1>, vector<512x128xf32>
    %reduce_sum3A_66 = arith.constant dense<0.000000e+00> : vector<512xf32>
    %reduce_sum3A_67 = vector.multi_reduction <add>, %select_n3A_65, %reduce_sum3A_66 [1] : vector<512x128xf32> to vector<512xf32>
    %broadcast_in_dim3A_68 = vector.shape_cast %reduce_sum3A_67 : vector<512xf32> to vector<512x1xf32>
    %add3A_69 = arith.addf %add3A_41, %broadcast_in_dim3A_68 : vector<512x1xf32>
    %get3A_70 = arith.constant 256 : index
    %get3A_71 = arith.constant 0 : index
    %get3A_72 = vector.load %arg2[%get3A_70, %get3A_71] : memref<5120x128xbf16, #tpu.memory_space<vmem>>, vector<128x128xbf16>
    %dot_general3A_73 = arith.constant dense<0.000000e+00> : vector<512x128xf32>
    %dot_general3A_74 = tpu.matmul %convert_element_type3A, %get3A_72, %dot_general3A_73 {dimension_numbers = #tpu.dot_dimension_numbers<[1], [1], [0], [0], [0, 0, 1, 0], [], []>, transpose_lhs_hint = false} : vector<512x128xbf16>, vector<128x128xbf16>, vector<512x128xf32> -> vector<512x128xf32>
    %sub3A_75 = arith.constant 5.770780e+01 : f32
    %sub3A_76 = vector.broadcast %sub3A_75 : f32 to vector<512x128xf32>
    %sub3A_77 = arith.subf %dot_general3A_74, %sub3A_76 : vector<512x128xf32>
    %exp23A_78 = math.exp2 %sub3A_77 : vector<512x128xf32>
    %get3A_79 = arith.constant 256 : index
    %get3A_80 = arith.constant 0 : index
    %get3A_81 = vector.load %arg3[%get3A_79, %get3A_80] : memref<5120x1xf32, #tpu.memory_space<vmem>>, vector<128x1xf32>
    %dot_general3A_82 = arith.constant dense<0.000000e+00> : vector<512x1xf32>
    %dot_general3A_83 = tpu.matmul %exp23A_78, %get3A_81, %dot_general3A_82 {dimension_numbers = #tpu.dot_dimension_numbers<[1], [0], [0], [1], [0, 0, 1, 1], [], []>, transpose_lhs_hint = false} : vector<512x128xf32>, vector<128x1xf32>, vector<512x1xf32> -> vector<512x1xf32>
    %add3A_84 = arith.addf %add3A_56, %dot_general3A_83 : vector<512x1xf32>
    %iota3A_85 = tpu.iota {dimensions = array<i32: 1>} : vector<512x128xi32>
    %add3A_86 = arith.constant 256 : i32
    %add3A_87 = vector.broadcast %add3A_86 : i32 to vector<512x128xi32>
    %add3A_88 = arith.addi %add3A_87, %iota3A_85 : vector<512x128xi32>
    %eq3A_89 = vector.broadcast %broadcast_in_dim3A_17 : vector<512x1xi32> to vector<512x128xi32>
    %eq3A_90 = arith.cmpi eq, %add3A_88, %eq3A_89 : vector<512x128xi32>
    %jit3A_91 = arith.constant 0.000000e+00 : f32
    %broadcast_in_dim3A_92 = vector.broadcast %jit3A_91 : f32 to vector<512x128xf32>
    %select_n3A_93 = arith.select %eq3A_90, %dot_general3A_74, %broadcast_in_dim3A_92 : vector<512x128xi1>, vector<512x128xf32>
    %reduce_sum3A_94 = arith.constant dense<0.000000e+00> : vector<512xf32>
    %reduce_sum3A_95 = vector.multi_reduction <add>, %select_n3A_93, %reduce_sum3A_94 [1] : vector<512x128xf32> to vector<512xf32>
    %broadcast_in_dim3A_96 = vector.shape_cast %reduce_sum3A_95 : vector<512xf32> to vector<512x1xf32>
    %add3A_97 = arith.addf %add3A_69, %broadcast_in_dim3A_96 : vector<512x1xf32>
    %get3A_98 = arith.constant 384 : index
    %get3A_99 = arith.constant 0 : index
    %get3A_100 = vector.load %arg2[%get3A_98, %get3A_99] : memref<5120x128xbf16, #tpu.memory_space<vmem>>, vector<128x128xbf16>
    %dot_general3A_101 = arith.constant dense<0.000000e+00> : vector<512x128xf32>
    %dot_general3A_102 = tpu.matmul %convert_element_type3A, %get3A_100, %dot_general3A_101 {dimension_numbers = #tpu.dot_dimension_numbers<[1], [1], [0], [0], [0, 0, 1, 0], [], []>, transpose_lhs_hint = false} : vector<512x128xbf16>, vector<128x128xbf16>, vector<512x128xf32> -> vector<512x128xf32>
    %sub3A_103 = arith.constant 5.770780e+01 : f32
    %sub3A_104 = vector.broadcast %sub3A_103 : f32 to vector<512x128xf32>
    %sub3A_105 = arith.subf %dot_general3A_102, %sub3A_104 : vector<512x128xf32>
    %exp23A_106 = math.exp2 %sub3A_105 : vector<512x128xf32>
    %get3A_107 = arith.constant 384 : index
    %get3A_108 = arith.constant 0 : index
    %get3A_109 = vector.load %arg3[%get3A_107, %get3A_108] : memref<5120x1xf32, #tpu.memory_space<vmem>>, vector<128x1xf32>
    %dot_general3A_110 = arith.constant dense<0.000000e+00> : vector<512x1xf32>
    %dot_general3A_111 = tpu.matmul %exp23A_106, %get3A_109, %dot_general3A_110 {dimension_numbers = #tpu.dot_dimension_numbers<[1], [0], [0], [1], [0, 0, 1, 1], [], []>, transpose_lhs_hint = false} : vector<512x128xf32>, vector<128x1xf32>, vector<512x1xf32> -> vector<512x1xf32>
    %add3A_112 = arith.addf %add3A_84, %dot_general3A_111 : vector<512x1xf32>
    %iota3A_113 = tpu.iota {dimensions = array<i32: 1>} : vector<512x128xi32>
    %add3A_114 = arith.constant 384 : i32
    %add3A_115 = vector.broadcast %add3A_114 : i32 to vector<512x128xi32>
    %add3A_116 = arith.addi %add3A_115, %iota3A_113 : vector<512x128xi32>
    %eq3A_117 = vector.broadcast %broadcast_in_dim3A_17 : vector<512x1xi32> to vector<512x128xi32>
    %eq3A_118 = arith.cmpi eq, %add3A_116, %eq3A_117 : vector<512x128xi32>
    %jit3A_119 = arith.constant 0.000000e+00 : f32
    %broadcast_in_dim3A_120 = vector.broadcast %jit3A_119 : f32 to vector<512x128xf32>
    %select_n3A_121 = arith.select %eq3A_118, %dot_general3A_102, %broadcast_in_dim3A_120 : vector<512x128xi1>, vector<512x128xf32>
    %reduce_sum3A_122 = arith.constant dense<0.000000e+00> : vector<512xf32>
    %reduce_sum3A_123 = vector.multi_reduction <add>, %select_n3A_121, %reduce_sum3A_122 [1] : vector<512x128xf32> to vector<512xf32>
    %broadcast_in_dim3A_124 = vector.shape_cast %reduce_sum3A_123 : vector<512xf32> to vector<512x1xf32>
    %add3A_125 = arith.addf %add3A_97, %broadcast_in_dim3A_124 : vector<512x1xf32>
    %get3A_126 = arith.constant 512 : index
    %get3A_127 = arith.constant 0 : index
    %get3A_128 = vector.load %arg2[%get3A_126, %get3A_127] : memref<5120x128xbf16, #tpu.memory_space<vmem>>, vector<128x128xbf16>
    %dot_general3A_129 = arith.constant dense<0.000000e+00> : vector<512x128xf32>
    %dot_general3A_130 = tpu.matmul %convert_element_type3A, %get3A_128, %dot_general3A_129 {dimension_numbers = #tpu.dot_dimension_numbers<[1], [1], [0], [0], [0, 0, 1, 0], [], []>, transpose_lhs_hint = false} : vector<512x128xbf16>, vector<128x128xbf16>, vector<512x128xf32> -> vector<512x128xf32>
    %sub3A_131 = arith.constant 5.770780e+01 : f32
    %sub3A_132 = vector.broadcast %sub3A_131 : f32 to vector<512x128xf32>
    %sub3A_133 = arith.subf %dot_general3A_130, %sub3A_132 : vector<512x128xf32>
    %exp23A_134 = math.exp2 %sub3A_133 : vector<512x128xf32>
    %get3A_135 = arith.constant 512 : index
    %get3A_136 = arith.constant 0 : index
    %get3A_137 = vector.load %arg3[%get3A_135, %get3A_136] : memref<5120x1xf32, #tpu.memory_space<vmem>>, vector<128x1xf32>
    %dot_general3A_138 = arith.constant dense<0.000000e+00> : vector<512x1xf32>
    %dot_general3A_139 = tpu.matmul %exp23A_134, %get3A_137, %dot_general3A_138 {dimension_numbers = #tpu.dot_dimension_numbers<[1], [0], [0], [1], [0, 0, 1, 1], [], []>, transpose_lhs_hint = false} : vector<512x128xf32>, vector<128x1xf32>, vector<512x1xf32> -> vector<512x1xf32>
    %add3A_140 = arith.addf %add3A_112, %dot_general3A_139 : vector<512x1xf32>
    %iota3A_141 = tpu.iota {dimensions = array<i32: 1>} : vector<512x128xi32>
    %add3A_142 = arith.constant 512 : i32
    %add3A_143 = vector.broadcast %add3A_142 : i32 to vector<512x128xi32>
    %add3A_144 = arith.addi %add3A_143, %iota3A_141 : vector<512x128xi32>
    %eq3A_145 = vector.broadcast %broadcast_in_dim3A_17 : vector<512x1xi32> to vector<512x128xi32>
    %eq3A_146 = arith.cmpi eq, %add3A_144, %eq3A_145 : vector<512x128xi32>
    %jit3A_147 = arith.constant 0.000000e+00 : f32
    %broadcast_in_dim3A_148 = vector.broadcast %jit3A_147 : f32 to vector<512x128xf32>
    %select_n3A_149 = arith.select %eq3A_146, %dot_general3A_130, %broadcast_in_dim3A_148 : vector<512x128xi1>, vector<512x128xf32>
    %reduce_sum3A_150 = arith.constant dense<0.000000e+00> : vector<512xf32>
    %reduce_sum3A_151 = vector.multi_reduction <add>, %select_n3A_149, %reduce_sum3A_150 [1] : vector<512x128xf32> to vector<512xf32>
    %broadcast_in_dim3A_152 = vector.shape_cast %reduce_sum3A_151 : vector<512xf32> to vector<512x1xf32>
    %add3A_153 = arith.addf %add3A_125, %broadcast_in_dim3A_152 : vector<512x1xf32>
    %get3A_154 = arith.constant 640 : index
    %get3A_155 = arith.constant 0 : index
    %get3A_156 = vector.load %arg2[%get3A_154, %get3A_155] : memref<5120x128xbf16, #tpu.memory_space<vmem>>, vector<128x128xbf16>
    %dot_general3A_157 = arith.constant dense<0.000000e+00> : vector<512x128xf32>
    %dot_general3A_158 = tpu.matmul %convert_element_type3A, %get3A_156, %dot_general3A_157 {dimension_numbers = #tpu.dot_dimension_numbers<[1], [1], [0], [0], [0, 0, 1, 0], [], []>, transpose_lhs_hint = false} : vector<512x128xbf16>, vector<128x128xbf16>, vector<512x128xf32> -> vector<512x128xf32>
    %sub3A_159 = arith.constant 5.770780e+01 : f32
    %sub3A_160 = vector.broadcast %sub3A_159 : f32 to vector<512x128xf32>
    %sub3A_161 = arith.subf %dot_general3A_158, %sub3A_160 : vector<512x128xf32>
    %exp23A_162 = math.exp2 %sub3A_161 : vector<512x128xf32>
    %get3A_163 = arith.constant 640 : index
    %get3A_164 = arith.constant 0 : index
    %get3A_165 = vector.load %arg3[%get3A_163, %get3A_164] : memref<5120x1xf32, #tpu.memory_space<vmem>>, vector<128x1xf32>
    %dot_general3A_166 = arith.constant dense<0.000000e+00> : vector<512x1xf32>
    %dot_general3A_167 = tpu.matmul %exp23A_162, %get3A_165, %dot_general3A_166 {dimension_numbers = #tpu.dot_dimension_numbers<[1], [0], [0], [1], [0, 0, 1, 1], [], []>, transpose_lhs_hint = false} : vector<512x128xf32>, vector<128x1xf32>, vector<512x1xf32> -> vector<512x1xf32>
    %add3A_168 = arith.addf %add3A_140, %dot_general3A_167 : vector<512x1xf32>
    %iota3A_169 = tpu.iota {dimensions = array<i32: 1>} : vector<512x128xi32>
    %add3A_170 = arith.constant 640 : i32
    %add3A_171 = vector.broadcast %add3A_170 : i32 to vector<512x128xi32>
    %add3A_172 = arith.addi %add3A_171, %iota3A_169 : vector<512x128xi32>
    %eq3A_173 = vector.broadcast %broadcast_in_dim3A_17 : vector<512x1xi32> to vector<512x128xi32>
    %eq3A_174 = arith.cmpi eq, %add3A_172, %eq3A_173 : vector<512x128xi32>
    %jit3A_175 = arith.constant 0.000000e+00 : f32
    %broadcast_in_dim3A_176 = vector.broadcast %jit3A_175 : f32 to vector<512x128xf32>
    %select_n3A_177 = arith.select %eq3A_174, %dot_general3A_158, %broadcast_in_dim3A_176 : vector<512x128xi1>, vector<512x128xf32>
    %reduce_sum3A_178 = arith.constant dense<0.000000e+00> : vector<512xf32>
    %reduce_sum3A_179 = vector.multi_reduction <add>, %select_n3A_177, %reduce_sum3A_178 [1] : vector<512x128xf32> to vector<512xf32>
    %broadcast_in_dim3A_180 = vector.shape_cast %reduce_sum3A_179 : vector<512xf32> to vector<512x1xf32>
    %add3A_181 = arith.addf %add3A_153, %broadcast_in_dim3A_180 : vector<512x1xf32>
    %get3A_182 = arith.constant 768 : index
    %get3A_183 = arith.constant 0 : index
    %get3A_184 = vector.load %arg2[%get3A_182, %get3A_183] : memref<5120x128xbf16, #tpu.memory_space<vmem>>, vector<128x128xbf16>
    %dot_general3A_185 = arith.constant dense<0.000000e+00> : vector<512x128xf32>
    %dot_general3A_186 = tpu.matmul %convert_element_type3A, %get3A_184, %dot_general3A_185 {dimension_numbers = #tpu.dot_dimension_numbers<[1], [1], [0], [0], [0, 0, 1, 0], [], []>, transpose_lhs_hint = false} : vector<512x128xbf16>, vector<128x128xbf16>, vector<512x128xf32> -> vector<512x128xf32>
    %sub3A_187 = arith.constant 5.770780e+01 : f32
    %sub3A_188 = vector.broadcast %sub3A_187 : f32 to vector<512x128xf32>
    %sub3A_189 = arith.subf %dot_general3A_186, %sub3A_188 : vector<512x128xf32>
    %exp23A_190 = math.exp2 %sub3A_189 : vector<512x128xf32>
    %get3A_191 = arith.constant 768 : index
    %get3A_192 = arith.constant 0 : index
    %get3A_193 = vector.load %arg3[%get3A_191, %get3A_192] : memref<5120x1xf32, #tpu.memory_space<vmem>>, vector<128x1xf32>
    %dot_general3A_194 = arith.constant dense<0.000000e+00> : vector<512x1xf32>
    %dot_general3A_195 = tpu.matmul %exp23A_190, %get3A_193, %dot_general3A_194 {dimension_numbers = #tpu.dot_dimension_numbers<[1], [0], [0], [1], [0, 0, 1, 1], [], []>, transpose_lhs_hint = false} : vector<512x128xf32>, vector<128x1xf32>, vector<512x1xf32> -> vector<512x1xf32>
    %add3A_196 = arith.addf %add3A_168, %dot_general3A_195 : vector<512x1xf32>
    %iota3A_197 = tpu.iota {dimensions = array<i32: 1>} : vector<512x128xi32>
    %add3A_198 = arith.constant 768 : i32
    %add3A_199 = vector.broadcast %add3A_198 : i32 to vector<512x128xi32>
    %add3A_200 = arith.addi %add3A_199, %iota3A_197 : vector<512x128xi32>
    %eq3A_201 = vector.broadcast %broadcast_in_dim3A_17 : vector<512x1xi32> to vector<512x128xi32>
    %eq3A_202 = arith.cmpi eq, %add3A_200, %eq3A_201 : vector<512x128xi32>
    %jit3A_203 = arith.constant 0.000000e+00 : f32
    %broadcast_in_dim3A_204 = vector.broadcast %jit3A_203 : f32 to vector<512x128xf32>
    %select_n3A_205 = arith.select %eq3A_202, %dot_general3A_186, %broadcast_in_dim3A_204 : vector<512x128xi1>, vector<512x128xf32>
    %reduce_sum3A_206 = arith.constant dense<0.000000e+00> : vector<512xf32>
    %reduce_sum3A_207 = vector.multi_reduction <add>, %select_n3A_205, %reduce_sum3A_206 [1] : vector<512x128xf32> to vector<512xf32>
    %broadcast_in_dim3A_208 = vector.shape_cast %reduce_sum3A_207 : vector<512xf32> to vector<512x1xf32>
    %add3A_209 = arith.addf %add3A_181, %broadcast_in_dim3A_208 : vector<512x1xf32>
    %get3A_210 = arith.constant 896 : index
    %get3A_211 = arith.constant 0 : index
    %get3A_212 = vector.load %arg2[%get3A_210, %get3A_211] : memref<5120x128xbf16, #tpu.memory_space<vmem>>, vector<128x128xbf16>
    %dot_general3A_213 = arith.constant dense<0.000000e+00> : vector<512x128xf32>
    %dot_general3A_214 = tpu.matmul %convert_element_type3A, %get3A_212, %dot_general3A_213 {dimension_numbers = #tpu.dot_dimension_numbers<[1], [1], [0], [0], [0, 0, 1, 0], [], []>, transpose_lhs_hint = false} : vector<512x128xbf16>, vector<128x128xbf16>, vector<512x128xf32> -> vector<512x128xf32>
    %sub3A_215 = arith.constant 5.770780e+01 : f32
    %sub3A_216 = vector.broadcast %sub3A_215 : f32 to vector<512x128xf32>
    %sub3A_217 = arith.subf %dot_general3A_214, %sub3A_216 : vector<512x128xf32>
    %exp23A_218 = math.exp2 %sub3A_217 : vector<512x128xf32>
    %get3A_219 = arith.constant 896 : index
    %get3A_220 = arith.constant 0 : index
    %get3A_221 = vector.load %arg3[%get3A_219, %get3A_220] : memref<5120x1xf32, #tpu.memory_space<vmem>>, vector<128x1xf32>
    %dot_general3A_222 = arith.constant dense<0.000000e+00> : vector<512x1xf32>
    %dot_general3A_223 = tpu.matmul %exp23A_218, %get3A_221, %dot_general3A_222 {dimension_numbers = #tpu.dot_dimension_numbers<[1], [0], [0], [1], [0, 0, 1, 1], [], []>, transpose_lhs_hint = false} : vector<512x128xf32>, vector<128x1xf32>, vector<512x1xf32> -> vector<512x1xf32>
    %add3A_224 = arith.addf %add3A_196, %dot_general3A_223 : vector<512x1xf32>
    %iota3A_225 = tpu.iota {dimensions = array<i32: 1>} : vector<512x128xi32>
    %add3A_226 = arith.constant 896 : i32
    %add3A_227 = vector.broadcast %add3A_226 : i32 to vector<512x128xi32>
    %add3A_228 = arith.addi %add3A_227, %iota3A_225 : vector<512x128xi32>
    %eq3A_229 = vector.broadcast %broadcast_in_dim3A_17 : vector<512x1xi32> to vector<512x128xi32>
    %eq3A_230 = arith.cmpi eq, %add3A_228, %eq3A_229 : vector<512x128xi32>
    %jit3A_231 = arith.constant 0.000000e+00 : f32
    %broadcast_in_dim3A_232 = vector.broadcast %jit3A_231 : f32 to vector<512x128xf32>
    %select_n3A_233 = arith.select %eq3A_230, %dot_general3A_214, %broadcast_in_dim3A_232 : vector<512x128xi1>, vector<512x128xf32>
    %reduce_sum3A_234 = arith.constant dense<0.000000e+00> : vector<512xf32>
    %reduce_sum3A_235 = vector.multi_reduction <add>, %select_n3A_233, %reduce_sum3A_234 [1] : vector<512x128xf32> to vector<512xf32>
    %broadcast_in_dim3A_236 = vector.shape_cast %reduce_sum3A_235 : vector<512xf32> to vector<512x1xf32>
    %add3A_237 = arith.addf %add3A_209, %broadcast_in_dim3A_236 : vector<512x1xf32>
    %get3A_238 = arith.constant 1024 : index
    %get3A_239 = arith.constant 0 : index
    %get3A_240 = vector.load %arg2[%get3A_238, %get3A_239] : memref<5120x128xbf16, #tpu.memory_space<vmem>>, vector<128x128xbf16>
    %dot_general3A_241 = arith.constant dense<0.000000e+00> : vector<512x128xf32>
    %dot_general3A_242 = tpu.matmul %convert_element_type3A, %get3A_240, %dot_general3A_241 {dimension_numbers = #tpu.dot_dimension_numbers<[1], [1], [0], [0], [0, 0, 1, 0], [], []>, transpose_lhs_hint = false} : vector<512x128xbf16>, vector<128x128xbf16>, vector<512x128xf32> -> vector<512x128xf32>
    %sub3A_243 = arith.constant 5.770780e+01 : f32
    %sub3A_244 = vector.broadcast %sub3A_243 : f32 to vector<512x128xf32>
    %sub3A_245 = arith.subf %dot_general3A_242, %sub3A_244 : vector<512x128xf32>
    %exp23A_246 = math.exp2 %sub3A_245 : vector<512x128xf32>
    %get3A_247 = arith.constant 1024 : index
    %get3A_248 = arith.constant 0 : index
    %get3A_249 = vector.load %arg3[%get3A_247, %get3A_248] : memref<5120x1xf32, #tpu.memory_space<vmem>>, vector<128x1xf32>
    %dot_general3A_250 = arith.constant dense<0.000000e+00> : vector<512x1xf32>
    %dot_general3A_251 = tpu.matmul %exp23A_246, %get3A_249, %dot_general3A_250 {dimension_numbers = #tpu.dot_dimension_numbers<[1], [0], [0], [1], [0, 0, 1, 1], [], []>, transpose_lhs_hint = false} : vector<512x128xf32>, vector<128x1xf32>, vector<512x1xf32> -> vector<512x1xf32>
    %add3A_252 = arith.addf %add3A_224, %dot_general3A_251 : vector<512x1xf32>
    %iota3A_253 = tpu.iota {dimensions = array<i32: 1>} : vector<512x128xi32>
    %add3A_254 = arith.constant 1024 : i32
    %add3A_255 = vector.broadcast %add3A_254 : i32 to vector<512x128xi32>
    %add3A_256 = arith.addi %add3A_255, %iota3A_253 : vector<512x128xi32>
    %eq3A_257 = vector.broadcast %broadcast_in_dim3A_17 : vector<512x1xi32> to vector<512x128xi32>
    %eq3A_258 = arith.cmpi eq, %add3A_256, %eq3A_257 : vector<512x128xi32>
    %jit3A_259 = arith.constant 0.000000e+00 : f32
    %broadcast_in_dim3A_260 = vector.broadcast %jit3A_259 : f32 to vector<512x128xf32>
    %select_n3A_261 = arith.select %eq3A_258, %dot_general3A_242, %broadcast_in_dim3A_260 : vector<512x128xi1>, vector<512x128xf32>
    %reduce_sum3A_262 = arith.constant dense<0.000000e+00> : vector<512xf32>
    %reduce_sum3A_263 = vector.multi_reduction <add>, %select_n3A_261, %reduce_sum3A_262 [1] : vector<512x128xf32> to vector<512xf32>
    %broadcast_in_dim3A_264 = vector.shape_cast %reduce_sum3A_263 : vector<512xf32> to vector<512x1xf32>
    %add3A_265 = arith.addf %add3A_237, %broadcast_in_dim3A_264 : vector<512x1xf32>
    %get3A_266 = arith.constant 1152 : index
    %get3A_267 = arith.constant 0 : index
    %get3A_268 = vector.load %arg2[%get3A_266, %get3A_267] : memref<5120x128xbf16, #tpu.memory_space<vmem>>, vector<128x128xbf16>
    %dot_general3A_269 = arith.constant dense<0.000000e+00> : vector<512x128xf32>
    %dot_general3A_270 = tpu.matmul %convert_element_type3A, %get3A_268, %dot_general3A_269 {dimension_numbers = #tpu.dot_dimension_numbers<[1], [1], [0], [0], [0, 0, 1, 0], [], []>, transpose_lhs_hint = false} : vector<512x128xbf16>, vector<128x128xbf16>, vector<512x128xf32> -> vector<512x128xf32>
    %sub3A_271 = arith.constant 5.770780e+01 : f32
    %sub3A_272 = vector.broadcast %sub3A_271 : f32 to vector<512x128xf32>
    %sub3A_273 = arith.subf %dot_general3A_270, %sub3A_272 : vector<512x128xf32>
    %exp23A_274 = math.exp2 %sub3A_273 : vector<512x128xf32>
    %get3A_275 = arith.constant 1152 : index
    %get3A_276 = arith.constant 0 : index
    %get3A_277 = vector.load %arg3[%get3A_275, %get3A_276] : memref<5120x1xf32, #tpu.memory_space<vmem>>, vector<128x1xf32>
    %dot_general3A_278 = arith.constant dense<0.000000e+00> : vector<512x1xf32>
    %dot_general3A_279 = tpu.matmul %exp23A_274, %get3A_277, %dot_general3A_278 {dimension_numbers = #tpu.dot_dimension_numbers<[1], [0], [0], [1], [0, 0, 1, 1], [], []>, transpose_lhs_hint = false} : vector<512x128xf32>, vector<128x1xf32>, vector<512x1xf32> -> vector<512x1xf32>
    %add3A_280 = arith.addf %add3A_252, %dot_general3A_279 : vector<512x1xf32>
    %iota3A_281 = tpu.iota {dimensions = array<i32: 1>} : vector<512x128xi32>
    %add3A_282 = arith.constant 1152 : i32
    %add3A_283 = vector.broadcast %add3A_282 : i32 to vector<512x128xi32>
    %add3A_284 = arith.addi %add3A_283, %iota3A_281 : vector<512x128xi32>
    %eq3A_285 = vector.broadcast %broadcast_in_dim3A_17 : vector<512x1xi32> to vector<512x128xi32>
    %eq3A_286 = arith.cmpi eq, %add3A_284, %eq3A_285 : vector<512x128xi32>
    %jit3A_287 = arith.constant 0.000000e+00 : f32
    %broadcast_in_dim3A_288 = vector.broadcast %jit3A_287 : f32 to vector<512x128xf32>
    %select_n3A_289 = arith.select %eq3A_286, %dot_general3A_270, %broadcast_in_dim3A_288 : vector<512x128xi1>, vector<512x128xf32>
    %reduce_sum3A_290 = arith.constant dense<0.000000e+00> : vector<512xf32>
    %reduce_sum3A_291 = vector.multi_reduction <add>, %select_n3A_289, %reduce_sum3A_290 [1] : vector<512x128xf32> to vector<512xf32>
    %broadcast_in_dim3A_292 = vector.shape_cast %reduce_sum3A_291 : vector<512xf32> to vector<512x1xf32>
    %add3A_293 = arith.addf %add3A_265, %broadcast_in_dim3A_292 : vector<512x1xf32>
    %get3A_294 = arith.constant 1280 : index
    %get3A_295 = arith.constant 0 : index
    %get3A_296 = vector.load %arg2[%get3A_294, %get3A_295] : memref<5120x128xbf16, #tpu.memory_space<vmem>>, vector<128x128xbf16>
    %dot_general3A_297 = arith.constant dense<0.000000e+00> : vector<512x128xf32>
    %dot_general3A_298 = tpu.matmul %convert_element_type3A, %get3A_296, %dot_general3A_297 {dimension_numbers = #tpu.dot_dimension_numbers<[1], [1], [0], [0], [0, 0, 1, 0], [], []>, transpose_lhs_hint = false} : vector<512x128xbf16>, vector<128x128xbf16>, vector<512x128xf32> -> vector<512x128xf32>
    %sub3A_299 = arith.constant 5.770780e+01 : f32
    %sub3A_300 = vector.broadcast %sub3A_299 : f32 to vector<512x128xf32>
    %sub3A_301 = arith.subf %dot_general3A_298, %sub3A_300 : vector<512x128xf32>
    %exp23A_302 = math.exp2 %sub3A_301 : vector<512x128xf32>
    %get3A_303 = arith.constant 1280 : index
    %get3A_304 = arith.constant 0 : index
    %get3A_305 = vector.load %arg3[%get3A_303, %get3A_304] : memref<5120x1xf32, #tpu.memory_space<vmem>>, vector<128x1xf32>
    %dot_general3A_306 = arith.constant dense<0.000000e+00> : vector<512x1xf32>
    %dot_general3A_307 = tpu.matmul %exp23A_302, %get3A_305, %dot_general3A_306 {dimension_numbers = #tpu.dot_dimension_numbers<[1], [0], [0], [1], [0, 0, 1, 1], [], []>, transpose_lhs_hint = false} : vector<512x128xf32>, vector<128x1xf32>, vector<512x1xf32> -> vector<512x1xf32>
    %add3A_308 = arith.addf %add3A_280, %dot_general3A_307 : vector<512x1xf32>
    %iota3A_309 = tpu.iota {dimensions = array<i32: 1>} : vector<512x128xi32>
    %add3A_310 = arith.constant 1280 : i32
    %add3A_311 = vector.broadcast %add3A_310 : i32 to vector<512x128xi32>
    %add3A_312 = arith.addi %add3A_311, %iota3A_309 : vector<512x128xi32>
    %eq3A_313 = vector.broadcast %broadcast_in_dim3A_17 : vector<512x1xi32> to vector<512x128xi32>
    %eq3A_314 = arith.cmpi eq, %add3A_312, %eq3A_313 : vector<512x128xi32>
    %jit3A_315 = arith.constant 0.000000e+00 : f32
    %broadcast_in_dim3A_316 = vector.broadcast %jit3A_315 : f32 to vector<512x128xf32>
    %select_n3A_317 = arith.select %eq3A_314, %dot_general3A_298, %broadcast_in_dim3A_316 : vector<512x128xi1>, vector<512x128xf32>
    %reduce_sum3A_318 = arith.constant dense<0.000000e+00> : vector<512xf32>
    %reduce_sum3A_319 = vector.multi_reduction <add>, %select_n3A_317, %reduce_sum3A_318 [1] : vector<512x128xf32> to vector<512xf32>
    %broadcast_in_dim3A_320 = vector.shape_cast %reduce_sum3A_319 : vector<512xf32> to vector<512x1xf32>
    %add3A_321 = arith.addf %add3A_293, %broadcast_in_dim3A_320 : vector<512x1xf32>
    %get3A_322 = arith.constant 1408 : index
    %get3A_323 = arith.constant 0 : index
    %get3A_324 = vector.load %arg2[%get3A_322, %get3A_323] : memref<5120x128xbf16, #tpu.memory_space<vmem>>, vector<128x128xbf16>
    %dot_general3A_325 = arith.constant dense<0.000000e+00> : vector<512x128xf32>
    %dot_general3A_326 = tpu.matmul %convert_element_type3A, %get3A_324, %dot_general3A_325 {dimension_numbers = #tpu.dot_dimension_numbers<[1], [1], [0], [0], [0, 0, 1, 0], [], []>, transpose_lhs_hint = false} : vector<512x128xbf16>, vector<128x128xbf16>, vector<512x128xf32> -> vector<512x128xf32>
    %sub3A_327 = arith.constant 5.770780e+01 : f32
    %sub3A_328 = vector.broadcast %sub3A_327 : f32 to vector<512x128xf32>
    %sub3A_329 = arith.subf %dot_general3A_326, %sub3A_328 : vector<512x128xf32>
    %exp23A_330 = math.exp2 %sub3A_329 : vector<512x128xf32>
    %get3A_331 = arith.constant 1408 : index
    %get3A_332 = arith.constant 0 : index
    %get3A_333 = vector.load %arg3[%get3A_331, %get3A_332] : memref<5120x1xf32, #tpu.memory_space<vmem>>, vector<128x1xf32>
    %dot_general3A_334 = arith.constant dense<0.000000e+00> : vector<512x1xf32>
    %dot_general3A_335 = tpu.matmul %exp23A_330, %get3A_333, %dot_general3A_334 {dimension_numbers = #tpu.dot_dimension_numbers<[1], [0], [0], [1], [0, 0, 1, 1], [], []>, transpose_lhs_hint = false} : vector<512x128xf32>, vector<128x1xf32>, vector<512x1xf32> -> vector<512x1xf32>
    %add3A_336 = arith.addf %add3A_308, %dot_general3A_335 : vector<512x1xf32>
    %iota3A_337 = tpu.iota {dimensions = array<i32: 1>} : vector<512x128xi32>
    %add3A_338 = arith.constant 1408 : i32
    %add3A_339 = vector.broadcast %add3A_338 : i32 to vector<512x128xi32>
    %add3A_340 = arith.addi %add3A_339, %iota3A_337 : vector<512x128xi32>
    %eq3A_341 = vector.broadcast %broadcast_in_dim3A_17 : vector<512x1xi32> to vector<512x128xi32>
    %eq3A_342 = arith.cmpi eq, %add3A_340, %eq3A_341 : vector<512x128xi32>
    %jit3A_343 = arith.constant 0.000000e+00 : f32
    %broadcast_in_dim3A_344 = vector.broadcast %jit3A_343 : f32 to vector<512x128xf32>
    %select_n3A_345 = arith.select %eq3A_342, %dot_general3A_326, %broadcast_in_dim3A_344 : vector<512x128xi1>, vector<512x128xf32>
    %reduce_sum3A_346 = arith.constant dense<0.000000e+00> : vector<512xf32>
    %reduce_sum3A_347 = vector.multi_reduction <add>, %select_n3A_345, %reduce_sum3A_346 [1] : vector<512x128xf32> to vector<512xf32>
    %broadcast_in_dim3A_348 = vector.shape_cast %reduce_sum3A_347 : vector<512xf32> to vector<512x1xf32>
    %add3A_349 = arith.addf %add3A_321, %broadcast_in_dim3A_348 : vector<512x1xf32>
    %get3A_350 = arith.constant 1536 : index
    %get3A_351 = arith.constant 0 : index
    %get3A_352 = vector.load %arg2[%get3A_350, %get3A_351] : memref<5120x128xbf16, #tpu.memory_space<vmem>>, vector<128x128xbf16>
    %dot_general3A_353 = arith.constant dense<0.000000e+00> : vector<512x128xf32>
    %dot_general3A_354 = tpu.matmul %convert_element_type3A, %get3A_352, %dot_general3A_353 {dimension_numbers = #tpu.dot_dimension_numbers<[1], [1], [0], [0], [0, 0, 1, 0], [], []>, transpose_lhs_hint = false} : vector<512x128xbf16>, vector<128x128xbf16>, vector<512x128xf32> -> vector<512x128xf32>
    %sub3A_355 = arith.constant 5.770780e+01 : f32
    %sub3A_356 = vector.broadcast %sub3A_355 : f32 to vector<512x128xf32>
    %sub3A_357 = arith.subf %dot_general3A_354, %sub3A_356 : vector<512x128xf32>
    %exp23A_358 = math.exp2 %sub3A_357 : vector<512x128xf32>
    %get3A_359 = arith.constant 1536 : index
    %get3A_360 = arith.constant 0 : index
    %get3A_361 = vector.load %arg3[%get3A_359, %get3A_360] : memref<5120x1xf32, #tpu.memory_space<vmem>>, vector<128x1xf32>
    %dot_general3A_362 = arith.constant dense<0.000000e+00> : vector<512x1xf32>
    %dot_general3A_363 = tpu.matmul %exp23A_358, %get3A_361, %dot_general3A_362 {dimension_numbers = #tpu.dot_dimension_numbers<[1], [0], [0], [1], [0, 0, 1, 1], [], []>, transpose_lhs_hint = false} : vector<512x128xf32>, vector<128x1xf32>, vector<512x1xf32> -> vector<512x1xf32>
    %add3A_364 = arith.addf %add3A_336, %dot_general3A_363 : vector<512x1xf32>
    %iota3A_365 = tpu.iota {dimensions = array<i32: 1>} : vector<512x128xi32>
    %add3A_366 = arith.constant 1536 : i32
    %add3A_367 = vector.broadcast %add3A_366 : i32 to vector<512x128xi32>
    %add3A_368 = arith.addi %add3A_367, %iota3A_365 : vector<512x128xi32>
    %eq3A_369 = vector.broadcast %broadcast_in_dim3A_17 : vector<512x1xi32> to vector<512x128xi32>
    %eq3A_370 = arith.cmpi eq, %add3A_368, %eq3A_369 : vector<512x128xi32>
    %jit3A_371 = arith.constant 0.000000e+00 : f32
    %broadcast_in_dim3A_372 = vector.broadcast %jit3A_371 : f32 to vector<512x128xf32>
    %select_n3A_373 = arith.select %eq3A_370, %dot_general3A_354, %broadcast_in_dim3A_372 : vector<512x128xi1>, vector<512x128xf32>
    %reduce_sum3A_374 = arith.constant dense<0.000000e+00> : vector<512xf32>
    %reduce_sum3A_375 = vector.multi_reduction <add>, %select_n3A_373, %reduce_sum3A_374 [1] : vector<512x128xf32> to vector<512xf32>
    %broadcast_in_dim3A_376 = vector.shape_cast %reduce_sum3A_375 : vector<512xf32> to vector<512x1xf32>
    %add3A_377 = arith.addf %add3A_349, %broadcast_in_dim3A_376 : vector<512x1xf32>
    %get3A_378 = arith.constant 1664 : index
    %get3A_379 = arith.constant 0 : index
    %get3A_380 = vector.load %arg2[%get3A_378, %get3A_379] : memref<5120x128xbf16, #tpu.memory_space<vmem>>, vector<128x128xbf16>
    %dot_general3A_381 = arith.constant dense<0.000000e+00> : vector<512x128xf32>
    %dot_general3A_382 = tpu.matmul %convert_element_type3A, %get3A_380, %dot_general3A_381 {dimension_numbers = #tpu.dot_dimension_numbers<[1], [1], [0], [0], [0, 0, 1, 0], [], []>, transpose_lhs_hint = false} : vector<512x128xbf16>, vector<128x128xbf16>, vector<512x128xf32> -> vector<512x128xf32>
    %sub3A_383 = arith.constant 5.770780e+01 : f32
    %sub3A_384 = vector.broadcast %sub3A_383 : f32 to vector<512x128xf32>
    %sub3A_385 = arith.subf %dot_general3A_382, %sub3A_384 : vector<512x128xf32>
    %exp23A_386 = math.exp2 %sub3A_385 : vector<512x128xf32>
    %get3A_387 = arith.constant 1664 : index
    %get3A_388 = arith.constant 0 : index
    %get3A_389 = vector.load %arg3[%get3A_387, %get3A_388] : memref<5120x1xf32, #tpu.memory_space<vmem>>, vector<128x1xf32>
    %dot_general3A_390 = arith.constant dense<0.000000e+00> : vector<512x1xf32>
    %dot_general3A_391 = tpu.matmul %exp23A_386, %get3A_389, %dot_general3A_390 {dimension_numbers = #tpu.dot_dimension_numbers<[1], [0], [0], [1], [0, 0, 1, 1], [], []>, transpose_lhs_hint = false} : vector<512x128xf32>, vector<128x1xf32>, vector<512x1xf32> -> vector<512x1xf32>
    %add3A_392 = arith.addf %add3A_364, %dot_general3A_391 : vector<512x1xf32>
    %iota3A_393 = tpu.iota {dimensions = array<i32: 1>} : vector<512x128xi32>
    %add3A_394 = arith.constant 1664 : i32
    %add3A_395 = vector.broadcast %add3A_394 : i32 to vector<512x128xi32>
    %add3A_396 = arith.addi %add3A_395, %iota3A_393 : vector<512x128xi32>
    %eq3A_397 = vector.broadcast %broadcast_in_dim3A_17 : vector<512x1xi32> to vector<512x128xi32>
    %eq3A_398 = arith.cmpi eq, %add3A_396, %eq3A_397 : vector<512x128xi32>
    %jit3A_399 = arith.constant 0.000000e+00 : f32
    %broadcast_in_dim3A_400 = vector.broadcast %jit3A_399 : f32 to vector<512x128xf32>
    %select_n3A_401 = arith.select %eq3A_398, %dot_general3A_382, %broadcast_in_dim3A_400 : vector<512x128xi1>, vector<512x128xf32>
    %reduce_sum3A_402 = arith.constant dense<0.000000e+00> : vector<512xf32>
    %reduce_sum3A_403 = vector.multi_reduction <add>, %select_n3A_401, %reduce_sum3A_402 [1] : vector<512x128xf32> to vector<512xf32>
    %broadcast_in_dim3A_404 = vector.shape_cast %reduce_sum3A_403 : vector<512xf32> to vector<512x1xf32>
    %add3A_405 = arith.addf %add3A_377, %broadcast_in_dim3A_404 : vector<512x1xf32>
    %get3A_406 = arith.constant 1792 : index
    %get3A_407 = arith.constant 0 : index
    %get3A_408 = vector.load %arg2[%get3A_406, %get3A_407] : memref<5120x128xbf16, #tpu.memory_space<vmem>>, vector<128x128xbf16>
    %dot_general3A_409 = arith.constant dense<0.000000e+00> : vector<512x128xf32>
    %dot_general3A_410 = tpu.matmul %convert_element_type3A, %get3A_408, %dot_general3A_409 {dimension_numbers = #tpu.dot_dimension_numbers<[1], [1], [0], [0], [0, 0, 1, 0], [], []>, transpose_lhs_hint = false} : vector<512x128xbf16>, vector<128x128xbf16>, vector<512x128xf32> -> vector<512x128xf32>
    %sub3A_411 = arith.constant 5.770780e+01 : f32
    %sub3A_412 = vector.broadcast %sub3A_411 : f32 to vector<512x128xf32>
    %sub3A_413 = arith.subf %dot_general3A_410, %sub3A_412 : vector<512x128xf32>
    %exp23A_414 = math.exp2 %sub3A_413 : vector<512x128xf32>
    %get3A_415 = arith.constant 1792 : index
    %get3A_416 = arith.constant 0 : index
    %get3A_417 = vector.load %arg3[%get3A_415, %get3A_416] : memref<5120x1xf32, #tpu.memory_space<vmem>>, vector<128x1xf32>
    %dot_general3A_418 = arith.constant dense<0.000000e+00> : vector<512x1xf32>
    %dot_general3A_419 = tpu.matmul %exp23A_414, %get3A_417, %dot_general3A_418 {dimension_numbers = #tpu.dot_dimension_numbers<[1], [0], [0], [1], [0, 0, 1, 1], [], []>, transpose_lhs_hint = false} : vector<512x128xf32>, vector<128x1xf32>, vector<512x1xf32> -> vector<512x1xf32>
    %add3A_420 = arith.addf %add3A_392, %dot_general3A_419 : vector<512x1xf32>
    %iota3A_421 = tpu.iota {dimensions = array<i32: 1>} : vector<512x128xi32>
    %add3A_422 = arith.constant 1792 : i32
    %add3A_423 = vector.broadcast %add3A_422 : i32 to vector<512x128xi32>
    %add3A_424 = arith.addi %add3A_423, %iota3A_421 : vector<512x128xi32>
    %eq3A_425 = vector.broadcast %broadcast_in_dim3A_17 : vector<512x1xi32> to vector<512x128xi32>
    %eq3A_426 = arith.cmpi eq, %add3A_424, %eq3A_425 : vector<512x128xi32>
    %jit3A_427 = arith.constant 0.000000e+00 : f32
    %broadcast_in_dim3A_428 = vector.broadcast %jit3A_427 : f32 to vector<512x128xf32>
    %select_n3A_429 = arith.select %eq3A_426, %dot_general3A_410, %broadcast_in_dim3A_428 : vector<512x128xi1>, vector<512x128xf32>
    %reduce_sum3A_430 = arith.constant dense<0.000000e+00> : vector<512xf32>
    %reduce_sum3A_431 = vector.multi_reduction <add>, %select_n3A_429, %reduce_sum3A_430 [1] : vector<512x128xf32> to vector<512xf32>
    %broadcast_in_dim3A_432 = vector.shape_cast %reduce_sum3A_431 : vector<512xf32> to vector<512x1xf32>
    %add3A_433 = arith.addf %add3A_405, %broadcast_in_dim3A_432 : vector<512x1xf32>
    %get3A_434 = arith.constant 1920 : index
    %get3A_435 = arith.constant 0 : index
    %get3A_436 = vector.load %arg2[%get3A_434, %get3A_435] : memref<5120x128xbf16, #tpu.memory_space<vmem>>, vector<128x128xbf16>
    %dot_general3A_437 = arith.constant dense<0.000000e+00> : vector<512x128xf32>
    %dot_general3A_438 = tpu.matmul %convert_element_type3A, %get3A_436, %dot_general3A_437 {dimension_numbers = #tpu.dot_dimension_numbers<[1], [1], [0], [0], [0, 0, 1, 0], [], []>, transpose_lhs_hint = false} : vector<512x128xbf16>, vector<128x128xbf16>, vector<512x128xf32> -> vector<512x128xf32>
    %sub3A_439 = arith.constant 5.770780e+01 : f32
    %sub3A_440 = vector.broadcast %sub3A_439 : f32 to vector<512x128xf32>
    %sub3A_441 = arith.subf %dot_general3A_438, %sub3A_440 : vector<512x128xf32>
    %exp23A_442 = math.exp2 %sub3A_441 : vector<512x128xf32>
    %get3A_443 = arith.constant 1920 : index
    %get3A_444 = arith.constant 0 : index
    %get3A_445 = vector.load %arg3[%get3A_443, %get3A_444] : memref<5120x1xf32, #tpu.memory_space<vmem>>, vector<128x1xf32>
    %dot_general3A_446 = arith.constant dense<0.000000e+00> : vector<512x1xf32>
    %dot_general3A_447 = tpu.matmul %exp23A_442, %get3A_445, %dot_general3A_446 {dimension_numbers = #tpu.dot_dimension_numbers<[1], [0], [0], [1], [0, 0, 1, 1], [], []>, transpose_lhs_hint = false} : vector<512x128xf32>, vector<128x1xf32>, vector<512x1xf32> -> vector<512x1xf32>
    %add3A_448 = arith.addf %add3A_420, %dot_general3A_447 : vector<512x1xf32>
    %iota3A_449 = tpu.iota {dimensions = array<i32: 1>} : vector<512x128xi32>
    %add3A_450 = arith.constant 1920 : i32
    %add3A_451 = vector.broadcast %add3A_450 : i32 to vector<512x128xi32>
    %add3A_452 = arith.addi %add3A_451, %iota3A_449 : vector<512x128xi32>
    %eq3A_453 = vector.broadcast %broadcast_in_dim3A_17 : vector<512x1xi32> to vector<512x128xi32>
    %eq3A_454 = arith.cmpi eq, %add3A_452, %eq3A_453 : vector<512x128xi32>
    %jit3A_455 = arith.constant 0.000000e+00 : f32
    %broadcast_in_dim3A_456 = vector.broadcast %jit3A_455 : f32 to vector<512x128xf32>
    %select_n3A_457 = arith.select %eq3A_454, %dot_general3A_438, %broadcast_in_dim3A_456 : vector<512x128xi1>, vector<512x128xf32>
    %reduce_sum3A_458 = arith.constant dense<0.000000e+00> : vector<512xf32>
    %reduce_sum3A_459 = vector.multi_reduction <add>, %select_n3A_457, %reduce_sum3A_458 [1] : vector<512x128xf32> to vector<512xf32>
    %broadcast_in_dim3A_460 = vector.shape_cast %reduce_sum3A_459 : vector<512xf32> to vector<512x1xf32>
    %add3A_461 = arith.addf %add3A_433, %broadcast_in_dim3A_460 : vector<512x1xf32>
    %get3A_462 = arith.constant 2048 : index
    %get3A_463 = arith.constant 0 : index
    %get3A_464 = vector.load %arg2[%get3A_462, %get3A_463] : memref<5120x128xbf16, #tpu.memory_space<vmem>>, vector<128x128xbf16>
    %dot_general3A_465 = arith.constant dense<0.000000e+00> : vector<512x128xf32>
    %dot_general3A_466 = tpu.matmul %convert_element_type3A, %get3A_464, %dot_general3A_465 {dimension_numbers = #tpu.dot_dimension_numbers<[1], [1], [0], [0], [0, 0, 1, 0], [], []>, transpose_lhs_hint = false} : vector<512x128xbf16>, vector<128x128xbf16>, vector<512x128xf32> -> vector<512x128xf32>
    %sub3A_467 = arith.constant 5.770780e+01 : f32
    %sub3A_468 = vector.broadcast %sub3A_467 : f32 to vector<512x128xf32>
    %sub3A_469 = arith.subf %dot_general3A_466, %sub3A_468 : vector<512x128xf32>
    %exp23A_470 = math.exp2 %sub3A_469 : vector<512x128xf32>
    %get3A_471 = arith.constant 2048 : index
    %get3A_472 = arith.constant 0 : index
    %get3A_473 = vector.load %arg3[%get3A_471, %get3A_472] : memref<5120x1xf32, #tpu.memory_space<vmem>>, vector<128x1xf32>
    %dot_general3A_474 = arith.constant dense<0.000000e+00> : vector<512x1xf32>
    %dot_general3A_475 = tpu.matmul %exp23A_470, %get3A_473, %dot_general3A_474 {dimension_numbers = #tpu.dot_dimension_numbers<[1], [0], [0], [1], [0, 0, 1, 1], [], []>, transpose_lhs_hint = false} : vector<512x128xf32>, vector<128x1xf32>, vector<512x1xf32> -> vector<512x1xf32>
    %add3A_476 = arith.addf %add3A_448, %dot_general3A_475 : vector<512x1xf32>
    %iota3A_477 = tpu.iota {dimensions = array<i32: 1>} : vector<512x128xi32>
    %add3A_478 = arith.constant 2048 : i32
    %add3A_479 = vector.broadcast %add3A_478 : i32 to vector<512x128xi32>
    %add3A_480 = arith.addi %add3A_479, %iota3A_477 : vector<512x128xi32>
    %eq3A_481 = vector.broadcast %broadcast_in_dim3A_17 : vector<512x1xi32> to vector<512x128xi32>
    %eq3A_482 = arith.cmpi eq, %add3A_480, %eq3A_481 : vector<512x128xi32>
    %jit3A_483 = arith.constant 0.000000e+00 : f32
    %broadcast_in_dim3A_484 = vector.broadcast %jit3A_483 : f32 to vector<512x128xf32>
    %select_n3A_485 = arith.select %eq3A_482, %dot_general3A_466, %broadcast_in_dim3A_484 : vector<512x128xi1>, vector<512x128xf32>
    %reduce_sum3A_486 = arith.constant dense<0.000000e+00> : vector<512xf32>
    %reduce_sum3A_487 = vector.multi_reduction <add>, %select_n3A_485, %reduce_sum3A_486 [1] : vector<512x128xf32> to vector<512xf32>
    %broadcast_in_dim3A_488 = vector.shape_cast %reduce_sum3A_487 : vector<512xf32> to vector<512x1xf32>
    %add3A_489 = arith.addf %add3A_461, %broadcast_in_dim3A_488 : vector<512x1xf32>
    %get3A_490 = arith.constant 2176 : index
    %get3A_491 = arith.constant 0 : index
    %get3A_492 = vector.load %arg2[%get3A_490, %get3A_491] : memref<5120x128xbf16, #tpu.memory_space<vmem>>, vector<128x128xbf16>
    %dot_general3A_493 = arith.constant dense<0.000000e+00> : vector<512x128xf32>
    %dot_general3A_494 = tpu.matmul %convert_element_type3A, %get3A_492, %dot_general3A_493 {dimension_numbers = #tpu.dot_dimension_numbers<[1], [1], [0], [0], [0, 0, 1, 0], [], []>, transpose_lhs_hint = false} : vector<512x128xbf16>, vector<128x128xbf16>, vector<512x128xf32> -> vector<512x128xf32>
    %sub3A_495 = arith.constant 5.770780e+01 : f32
    %sub3A_496 = vector.broadcast %sub3A_495 : f32 to vector<512x128xf32>
    %sub3A_497 = arith.subf %dot_general3A_494, %sub3A_496 : vector<512x128xf32>
    %exp23A_498 = math.exp2 %sub3A_497 : vector<512x128xf32>
    %get3A_499 = arith.constant 2176 : index
    %get3A_500 = arith.constant 0 : index
    %get3A_501 = vector.load %arg3[%get3A_499, %get3A_500] : memref<5120x1xf32, #tpu.memory_space<vmem>>, vector<128x1xf32>
    %dot_general3A_502 = arith.constant dense<0.000000e+00> : vector<512x1xf32>
    %dot_general3A_503 = tpu.matmul %exp23A_498, %get3A_501, %dot_general3A_502 {dimension_numbers = #tpu.dot_dimension_numbers<[1], [0], [0], [1], [0, 0, 1, 1], [], []>, transpose_lhs_hint = false} : vector<512x128xf32>, vector<128x1xf32>, vector<512x1xf32> -> vector<512x1xf32>
    %add3A_504 = arith.addf %add3A_476, %dot_general3A_503 : vector<512x1xf32>
    %iota3A_505 = tpu.iota {dimensions = array<i32: 1>} : vector<512x128xi32>
    %add3A_506 = arith.constant 2176 : i32
    %add3A_507 = vector.broadcast %add3A_506 : i32 to vector<512x128xi32>
    %add3A_508 = arith.addi %add3A_507, %iota3A_505 : vector<512x128xi32>
    %eq3A_509 = vector.broadcast %broadcast_in_dim3A_17 : vector<512x1xi32> to vector<512x128xi32>
    %eq3A_510 = arith.cmpi eq, %add3A_508, %eq3A_509 : vector<512x128xi32>
    %jit3A_511 = arith.constant 0.000000e+00 : f32
    %broadcast_in_dim3A_512 = vector.broadcast %jit3A_511 : f32 to vector<512x128xf32>
    %select_n3A_513 = arith.select %eq3A_510, %dot_general3A_494, %broadcast_in_dim3A_512 : vector<512x128xi1>, vector<512x128xf32>
    %reduce_sum3A_514 = arith.constant dense<0.000000e+00> : vector<512xf32>
    %reduce_sum3A_515 = vector.multi_reduction <add>, %select_n3A_513, %reduce_sum3A_514 [1] : vector<512x128xf32> to vector<512xf32>
    %broadcast_in_dim3A_516 = vector.shape_cast %reduce_sum3A_515 : vector<512xf32> to vector<512x1xf32>
    %add3A_517 = arith.addf %add3A_489, %broadcast_in_dim3A_516 : vector<512x1xf32>
    %get3A_518 = arith.constant 2304 : index
    %get3A_519 = arith.constant 0 : index
    %get3A_520 = vector.load %arg2[%get3A_518, %get3A_519] : memref<5120x128xbf16, #tpu.memory_space<vmem>>, vector<128x128xbf16>
    %dot_general3A_521 = arith.constant dense<0.000000e+00> : vector<512x128xf32>
    %dot_general3A_522 = tpu.matmul %convert_element_type3A, %get3A_520, %dot_general3A_521 {dimension_numbers = #tpu.dot_dimension_numbers<[1], [1], [0], [0], [0, 0, 1, 0], [], []>, transpose_lhs_hint = false} : vector<512x128xbf16>, vector<128x128xbf16>, vector<512x128xf32> -> vector<512x128xf32>
    %sub3A_523 = arith.constant 5.770780e+01 : f32
    %sub3A_524 = vector.broadcast %sub3A_523 : f32 to vector<512x128xf32>
    %sub3A_525 = arith.subf %dot_general3A_522, %sub3A_524 : vector<512x128xf32>
    %exp23A_526 = math.exp2 %sub3A_525 : vector<512x128xf32>
    %get3A_527 = arith.constant 2304 : index
    %get3A_528 = arith.constant 0 : index
    %get3A_529 = vector.load %arg3[%get3A_527, %get3A_528] : memref<5120x1xf32, #tpu.memory_space<vmem>>, vector<128x1xf32>
    %dot_general3A_530 = arith.constant dense<0.000000e+00> : vector<512x1xf32>
    %dot_general3A_531 = tpu.matmul %exp23A_526, %get3A_529, %dot_general3A_530 {dimension_numbers = #tpu.dot_dimension_numbers<[1], [0], [0], [1], [0, 0, 1, 1], [], []>, transpose_lhs_hint = false} : vector<512x128xf32>, vector<128x1xf32>, vector<512x1xf32> -> vector<512x1xf32>
    %add3A_532 = arith.addf %add3A_504, %dot_general3A_531 : vector<512x1xf32>
    %iota3A_533 = tpu.iota {dimensions = array<i32: 1>} : vector<512x128xi32>
    %add3A_534 = arith.constant 2304 : i32
    %add3A_535 = vector.broadcast %add3A_534 : i32 to vector<512x128xi32>
    %add3A_536 = arith.addi %add3A_535, %iota3A_533 : vector<512x128xi32>
    %eq3A_537 = vector.broadcast %broadcast_in_dim3A_17 : vector<512x1xi32> to vector<512x128xi32>
    %eq3A_538 = arith.cmpi eq, %add3A_536, %eq3A_537 : vector<512x128xi32>
    %jit3A_539 = arith.constant 0.000000e+00 : f32
    %broadcast_in_dim3A_540 = vector.broadcast %jit3A_539 : f32 to vector<512x128xf32>
    %select_n3A_541 = arith.select %eq3A_538, %dot_general3A_522, %broadcast_in_dim3A_540 : vector<512x128xi1>, vector<512x128xf32>
    %reduce_sum3A_542 = arith.constant dense<0.000000e+00> : vector<512xf32>
    %reduce_sum3A_543 = vector.multi_reduction <add>, %select_n3A_541, %reduce_sum3A_542 [1] : vector<512x128xf32> to vector<512xf32>
    %broadcast_in_dim3A_544 = vector.shape_cast %reduce_sum3A_543 : vector<512xf32> to vector<512x1xf32>
    %add3A_545 = arith.addf %add3A_517, %broadcast_in_dim3A_544 : vector<512x1xf32>
    %get3A_546 = arith.constant 2432 : index
    %get3A_547 = arith.constant 0 : index
    %get3A_548 = vector.load %arg2[%get3A_546, %get3A_547] : memref<5120x128xbf16, #tpu.memory_space<vmem>>, vector<128x128xbf16>
    %dot_general3A_549 = arith.constant dense<0.000000e+00> : vector<512x128xf32>
    %dot_general3A_550 = tpu.matmul %convert_element_type3A, %get3A_548, %dot_general3A_549 {dimension_numbers = #tpu.dot_dimension_numbers<[1], [1], [0], [0], [0, 0, 1, 0], [], []>, transpose_lhs_hint = false} : vector<512x128xbf16>, vector<128x128xbf16>, vector<512x128xf32> -> vector<512x128xf32>
    %sub3A_551 = arith.constant 5.770780e+01 : f32
    %sub3A_552 = vector.broadcast %sub3A_551 : f32 to vector<512x128xf32>
    %sub3A_553 = arith.subf %dot_general3A_550, %sub3A_552 : vector<512x128xf32>
    %exp23A_554 = math.exp2 %sub3A_553 : vector<512x128xf32>
    %get3A_555 = arith.constant 2432 : index
    %get3A_556 = arith.constant 0 : index
    %get3A_557 = vector.load %arg3[%get3A_555, %get3A_556] : memref<5120x1xf32, #tpu.memory_space<vmem>>, vector<128x1xf32>
    %dot_general3A_558 = arith.constant dense<0.000000e+00> : vector<512x1xf32>
    %dot_general3A_559 = tpu.matmul %exp23A_554, %get3A_557, %dot_general3A_558 {dimension_numbers = #tpu.dot_dimension_numbers<[1], [0], [0], [1], [0, 0, 1, 1], [], []>, transpose_lhs_hint = false} : vector<512x128xf32>, vector<128x1xf32>, vector<512x1xf32> -> vector<512x1xf32>
    %add3A_560 = arith.addf %add3A_532, %dot_general3A_559 : vector<512x1xf32>
    %iota3A_561 = tpu.iota {dimensions = array<i32: 1>} : vector<512x128xi32>
    %add3A_562 = arith.constant 2432 : i32
    %add3A_563 = vector.broadcast %add3A_562 : i32 to vector<512x128xi32>
    %add3A_564 = arith.addi %add3A_563, %iota3A_561 : vector<512x128xi32>
    %eq3A_565 = vector.broadcast %broadcast_in_dim3A_17 : vector<512x1xi32> to vector<512x128xi32>
    %eq3A_566 = arith.cmpi eq, %add3A_564, %eq3A_565 : vector<512x128xi32>
    %jit3A_567 = arith.constant 0.000000e+00 : f32
    %broadcast_in_dim3A_568 = vector.broadcast %jit3A_567 : f32 to vector<512x128xf32>
    %select_n3A_569 = arith.select %eq3A_566, %dot_general3A_550, %broadcast_in_dim3A_568 : vector<512x128xi1>, vector<512x128xf32>
    %reduce_sum3A_570 = arith.constant dense<0.000000e+00> : vector<512xf32>
    %reduce_sum3A_571 = vector.multi_reduction <add>, %select_n3A_569, %reduce_sum3A_570 [1] : vector<512x128xf32> to vector<512xf32>
    %broadcast_in_dim3A_572 = vector.shape_cast %reduce_sum3A_571 : vector<512xf32> to vector<512x1xf32>
    %add3A_573 = arith.addf %add3A_545, %broadcast_in_dim3A_572 : vector<512x1xf32>
    %get3A_574 = arith.constant 2560 : index
    %get3A_575 = arith.constant 0 : index
    %get3A_576 = vector.load %arg2[%get3A_574, %get3A_575] : memref<5120x128xbf16, #tpu.memory_space<vmem>>, vector<128x128xbf16>
    %dot_general3A_577 = arith.constant dense<0.000000e+00> : vector<512x128xf32>
    %dot_general3A_578 = tpu.matmul %convert_element_type3A, %get3A_576, %dot_general3A_577 {dimension_numbers = #tpu.dot_dimension_numbers<[1], [1], [0], [0], [0, 0, 1, 0], [], []>, transpose_lhs_hint = false} : vector<512x128xbf16>, vector<128x128xbf16>, vector<512x128xf32> -> vector<512x128xf32>
    %sub3A_579 = arith.constant 5.770780e+01 : f32
    %sub3A_580 = vector.broadcast %sub3A_579 : f32 to vector<512x128xf32>
    %sub3A_581 = arith.subf %dot_general3A_578, %sub3A_580 : vector<512x128xf32>
    %exp23A_582 = math.exp2 %sub3A_581 : vector<512x128xf32>
    %get3A_583 = arith.constant 2560 : index
    %get3A_584 = arith.constant 0 : index
    %get3A_585 = vector.load %arg3[%get3A_583, %get3A_584] : memref<5120x1xf32, #tpu.memory_space<vmem>>, vector<128x1xf32>
    %dot_general3A_586 = arith.constant dense<0.000000e+00> : vector<512x1xf32>
    %dot_general3A_587 = tpu.matmul %exp23A_582, %get3A_585, %dot_general3A_586 {dimension_numbers = #tpu.dot_dimension_numbers<[1], [0], [0], [1], [0, 0, 1, 1], [], []>, transpose_lhs_hint = false} : vector<512x128xf32>, vector<128x1xf32>, vector<512x1xf32> -> vector<512x1xf32>
    %add3A_588 = arith.addf %add3A_560, %dot_general3A_587 : vector<512x1xf32>
    %iota3A_589 = tpu.iota {dimensions = array<i32: 1>} : vector<512x128xi32>
    %add3A_590 = arith.constant 2560 : i32
    %add3A_591 = vector.broadcast %add3A_590 : i32 to vector<512x128xi32>
    %add3A_592 = arith.addi %add3A_591, %iota3A_589 : vector<512x128xi32>
    %eq3A_593 = vector.broadcast %broadcast_in_dim3A_17 : vector<512x1xi32> to vector<512x128xi32>
    %eq3A_594 = arith.cmpi eq, %add3A_592, %eq3A_593 : vector<512x128xi32>
    %jit3A_595 = arith.constant 0.000000e+00 : f32
    %broadcast_in_dim3A_596 = vector.broadcast %jit3A_595 : f32 to vector<512x128xf32>
    %select_n3A_597 = arith.select %eq3A_594, %dot_general3A_578, %broadcast_in_dim3A_596 : vector<512x128xi1>, vector<512x128xf32>
    %reduce_sum3A_598 = arith.constant dense<0.000000e+00> : vector<512xf32>
    %reduce_sum3A_599 = vector.multi_reduction <add>, %select_n3A_597, %reduce_sum3A_598 [1] : vector<512x128xf32> to vector<512xf32>
    %broadcast_in_dim3A_600 = vector.shape_cast %reduce_sum3A_599 : vector<512xf32> to vector<512x1xf32>
    %add3A_601 = arith.addf %add3A_573, %broadcast_in_dim3A_600 : vector<512x1xf32>
    %get3A_602 = arith.constant 2688 : index
    %get3A_603 = arith.constant 0 : index
    %get3A_604 = vector.load %arg2[%get3A_602, %get3A_603] : memref<5120x128xbf16, #tpu.memory_space<vmem>>, vector<128x128xbf16>
    %dot_general3A_605 = arith.constant dense<0.000000e+00> : vector<512x128xf32>
    %dot_general3A_606 = tpu.matmul %convert_element_type3A, %get3A_604, %dot_general3A_605 {dimension_numbers = #tpu.dot_dimension_numbers<[1], [1], [0], [0], [0, 0, 1, 0], [], []>, transpose_lhs_hint = false} : vector<512x128xbf16>, vector<128x128xbf16>, vector<512x128xf32> -> vector<512x128xf32>
    %sub3A_607 = arith.constant 5.770780e+01 : f32
    %sub3A_608 = vector.broadcast %sub3A_607 : f32 to vector<512x128xf32>
    %sub3A_609 = arith.subf %dot_general3A_606, %sub3A_608 : vector<512x128xf32>
    %exp23A_610 = math.exp2 %sub3A_609 : vector<512x128xf32>
    %get3A_611 = arith.constant 2688 : index
    %get3A_612 = arith.constant 0 : index
    %get3A_613 = vector.load %arg3[%get3A_611, %get3A_612] : memref<5120x1xf32, #tpu.memory_space<vmem>>, vector<128x1xf32>
    %dot_general3A_614 = arith.constant dense<0.000000e+00> : vector<512x1xf32>
    %dot_general3A_615 = tpu.matmul %exp23A_610, %get3A_613, %dot_general3A_614 {dimension_numbers = #tpu.dot_dimension_numbers<[1], [0], [0], [1], [0, 0, 1, 1], [], []>, transpose_lhs_hint = false} : vector<512x128xf32>, vector<128x1xf32>, vector<512x1xf32> -> vector<512x1xf32>
    %add3A_616 = arith.addf %add3A_588, %dot_general3A_615 : vector<512x1xf32>
    %iota3A_617 = tpu.iota {dimensions = array<i32: 1>} : vector<512x128xi32>
    %add3A_618 = arith.constant 2688 : i32
    %add3A_619 = vector.broadcast %add3A_618 : i32 to vector<512x128xi32>
    %add3A_620 = arith.addi %add3A_619, %iota3A_617 : vector<512x128xi32>
    %eq3A_621 = vector.broadcast %broadcast_in_dim3A_17 : vector<512x1xi32> to vector<512x128xi32>
    %eq3A_622 = arith.cmpi eq, %add3A_620, %eq3A_621 : vector<512x128xi32>
    %jit3A_623 = arith.constant 0.000000e+00 : f32
    %broadcast_in_dim3A_624 = vector.broadcast %jit3A_623 : f32 to vector<512x128xf32>
    %select_n3A_625 = arith.select %eq3A_622, %dot_general3A_606, %broadcast_in_dim3A_624 : vector<512x128xi1>, vector<512x128xf32>
    %reduce_sum3A_626 = arith.constant dense<0.000000e+00> : vector<512xf32>
    %reduce_sum3A_627 = vector.multi_reduction <add>, %select_n3A_625, %reduce_sum3A_626 [1] : vector<512x128xf32> to vector<512xf32>
    %broadcast_in_dim3A_628 = vector.shape_cast %reduce_sum3A_627 : vector<512xf32> to vector<512x1xf32>
    %add3A_629 = arith.addf %add3A_601, %broadcast_in_dim3A_628 : vector<512x1xf32>
    %get3A_630 = arith.constant 2816 : index
    %get3A_631 = arith.constant 0 : index
    %get3A_632 = vector.load %arg2[%get3A_630, %get3A_631] : memref<5120x128xbf16, #tpu.memory_space<vmem>>, vector<128x128xbf16>
    %dot_general3A_633 = arith.constant dense<0.000000e+00> : vector<512x128xf32>
    %dot_general3A_634 = tpu.matmul %convert_element_type3A, %get3A_632, %dot_general3A_633 {dimension_numbers = #tpu.dot_dimension_numbers<[1], [1], [0], [0], [0, 0, 1, 0], [], []>, transpose_lhs_hint = false} : vector<512x128xbf16>, vector<128x128xbf16>, vector<512x128xf32> -> vector<512x128xf32>
    %sub3A_635 = arith.constant 5.770780e+01 : f32
    %sub3A_636 = vector.broadcast %sub3A_635 : f32 to vector<512x128xf32>
    %sub3A_637 = arith.subf %dot_general3A_634, %sub3A_636 : vector<512x128xf32>
    %exp23A_638 = math.exp2 %sub3A_637 : vector<512x128xf32>
    %get3A_639 = arith.constant 2816 : index
    %get3A_640 = arith.constant 0 : index
    %get3A_641 = vector.load %arg3[%get3A_639, %get3A_640] : memref<5120x1xf32, #tpu.memory_space<vmem>>, vector<128x1xf32>
    %dot_general3A_642 = arith.constant dense<0.000000e+00> : vector<512x1xf32>
    %dot_general3A_643 = tpu.matmul %exp23A_638, %get3A_641, %dot_general3A_642 {dimension_numbers = #tpu.dot_dimension_numbers<[1], [0], [0], [1], [0, 0, 1, 1], [], []>, transpose_lhs_hint = false} : vector<512x128xf32>, vector<128x1xf32>, vector<512x1xf32> -> vector<512x1xf32>
    %add3A_644 = arith.addf %add3A_616, %dot_general3A_643 : vector<512x1xf32>
    %iota3A_645 = tpu.iota {dimensions = array<i32: 1>} : vector<512x128xi32>
    %add3A_646 = arith.constant 2816 : i32
    %add3A_647 = vector.broadcast %add3A_646 : i32 to vector<512x128xi32>
    %add3A_648 = arith.addi %add3A_647, %iota3A_645 : vector<512x128xi32>
    %eq3A_649 = vector.broadcast %broadcast_in_dim3A_17 : vector<512x1xi32> to vector<512x128xi32>
    %eq3A_650 = arith.cmpi eq, %add3A_648, %eq3A_649 : vector<512x128xi32>
    %jit3A_651 = arith.constant 0.000000e+00 : f32
    %broadcast_in_dim3A_652 = vector.broadcast %jit3A_651 : f32 to vector<512x128xf32>
    %select_n3A_653 = arith.select %eq3A_650, %dot_general3A_634, %broadcast_in_dim3A_652 : vector<512x128xi1>, vector<512x128xf32>
    %reduce_sum3A_654 = arith.constant dense<0.000000e+00> : vector<512xf32>
    %reduce_sum3A_655 = vector.multi_reduction <add>, %select_n3A_653, %reduce_sum3A_654 [1] : vector<512x128xf32> to vector<512xf32>
    %broadcast_in_dim3A_656 = vector.shape_cast %reduce_sum3A_655 : vector<512xf32> to vector<512x1xf32>
    %add3A_657 = arith.addf %add3A_629, %broadcast_in_dim3A_656 : vector<512x1xf32>
    %get3A_658 = arith.constant 2944 : index
    %get3A_659 = arith.constant 0 : index
    %get3A_660 = vector.load %arg2[%get3A_658, %get3A_659] : memref<5120x128xbf16, #tpu.memory_space<vmem>>, vector<128x128xbf16>
    %dot_general3A_661 = arith.constant dense<0.000000e+00> : vector<512x128xf32>
    %dot_general3A_662 = tpu.matmul %convert_element_type3A, %get3A_660, %dot_general3A_661 {dimension_numbers = #tpu.dot_dimension_numbers<[1], [1], [0], [0], [0, 0, 1, 0], [], []>, transpose_lhs_hint = false} : vector<512x128xbf16>, vector<128x128xbf16>, vector<512x128xf32> -> vector<512x128xf32>
    %sub3A_663 = arith.constant 5.770780e+01 : f32
    %sub3A_664 = vector.broadcast %sub3A_663 : f32 to vector<512x128xf32>
    %sub3A_665 = arith.subf %dot_general3A_662, %sub3A_664 : vector<512x128xf32>
    %exp23A_666 = math.exp2 %sub3A_665 : vector<512x128xf32>
    %get3A_667 = arith.constant 2944 : index
    %get3A_668 = arith.constant 0 : index
    %get3A_669 = vector.load %arg3[%get3A_667, %get3A_668] : memref<5120x1xf32, #tpu.memory_space<vmem>>, vector<128x1xf32>
    %dot_general3A_670 = arith.constant dense<0.000000e+00> : vector<512x1xf32>
    %dot_general3A_671 = tpu.matmul %exp23A_666, %get3A_669, %dot_general3A_670 {dimension_numbers = #tpu.dot_dimension_numbers<[1], [0], [0], [1], [0, 0, 1, 1], [], []>, transpose_lhs_hint = false} : vector<512x128xf32>, vector<128x1xf32>, vector<512x1xf32> -> vector<512x1xf32>
    %add3A_672 = arith.addf %add3A_644, %dot_general3A_671 : vector<512x1xf32>
    %iota3A_673 = tpu.iota {dimensions = array<i32: 1>} : vector<512x128xi32>
    %add3A_674 = arith.constant 2944 : i32
    %add3A_675 = vector.broadcast %add3A_674 : i32 to vector<512x128xi32>
    %add3A_676 = arith.addi %add3A_675, %iota3A_673 : vector<512x128xi32>
    %eq3A_677 = vector.broadcast %broadcast_in_dim3A_17 : vector<512x1xi32> to vector<512x128xi32>
    %eq3A_678 = arith.cmpi eq, %add3A_676, %eq3A_677 : vector<512x128xi32>
    %jit3A_679 = arith.constant 0.000000e+00 : f32
    %broadcast_in_dim3A_680 = vector.broadcast %jit3A_679 : f32 to vector<512x128xf32>
    %select_n3A_681 = arith.select %eq3A_678, %dot_general3A_662, %broadcast_in_dim3A_680 : vector<512x128xi1>, vector<512x128xf32>
    %reduce_sum3A_682 = arith.constant dense<0.000000e+00> : vector<512xf32>
    %reduce_sum3A_683 = vector.multi_reduction <add>, %select_n3A_681, %reduce_sum3A_682 [1] : vector<512x128xf32> to vector<512xf32>
    %broadcast_in_dim3A_684 = vector.shape_cast %reduce_sum3A_683 : vector<512xf32> to vector<512x1xf32>
    %add3A_685 = arith.addf %add3A_657, %broadcast_in_dim3A_684 : vector<512x1xf32>
    %get3A_686 = arith.constant 3072 : index
    %get3A_687 = arith.constant 0 : index
    %get3A_688 = vector.load %arg2[%get3A_686, %get3A_687] : memref<5120x128xbf16, #tpu.memory_space<vmem>>, vector<128x128xbf16>
    %dot_general3A_689 = arith.constant dense<0.000000e+00> : vector<512x128xf32>
    %dot_general3A_690 = tpu.matmul %convert_element_type3A, %get3A_688, %dot_general3A_689 {dimension_numbers = #tpu.dot_dimension_numbers<[1], [1], [0], [0], [0, 0, 1, 0], [], []>, transpose_lhs_hint = false} : vector<512x128xbf16>, vector<128x128xbf16>, vector<512x128xf32> -> vector<512x128xf32>
    %sub3A_691 = arith.constant 5.770780e+01 : f32
    %sub3A_692 = vector.broadcast %sub3A_691 : f32 to vector<512x128xf32>
    %sub3A_693 = arith.subf %dot_general3A_690, %sub3A_692 : vector<512x128xf32>
    %exp23A_694 = math.exp2 %sub3A_693 : vector<512x128xf32>
    %get3A_695 = arith.constant 3072 : index
    %get3A_696 = arith.constant 0 : index
    %get3A_697 = vector.load %arg3[%get3A_695, %get3A_696] : memref<5120x1xf32, #tpu.memory_space<vmem>>, vector<128x1xf32>
    %dot_general3A_698 = arith.constant dense<0.000000e+00> : vector<512x1xf32>
    %dot_general3A_699 = tpu.matmul %exp23A_694, %get3A_697, %dot_general3A_698 {dimension_numbers = #tpu.dot_dimension_numbers<[1], [0], [0], [1], [0, 0, 1, 1], [], []>, transpose_lhs_hint = false} : vector<512x128xf32>, vector<128x1xf32>, vector<512x1xf32> -> vector<512x1xf32>
    %add3A_700 = arith.addf %add3A_672, %dot_general3A_699 : vector<512x1xf32>
    %iota3A_701 = tpu.iota {dimensions = array<i32: 1>} : vector<512x128xi32>
    %add3A_702 = arith.constant 3072 : i32
    %add3A_703 = vector.broadcast %add3A_702 : i32 to vector<512x128xi32>
    %add3A_704 = arith.addi %add3A_703, %iota3A_701 : vector<512x128xi32>
    %eq3A_705 = vector.broadcast %broadcast_in_dim3A_17 : vector<512x1xi32> to vector<512x128xi32>
    %eq3A_706 = arith.cmpi eq, %add3A_704, %eq3A_705 : vector<512x128xi32>
    %jit3A_707 = arith.constant 0.000000e+00 : f32
    %broadcast_in_dim3A_708 = vector.broadcast %jit3A_707 : f32 to vector<512x128xf32>
    %select_n3A_709 = arith.select %eq3A_706, %dot_general3A_690, %broadcast_in_dim3A_708 : vector<512x128xi1>, vector<512x128xf32>
    %reduce_sum3A_710 = arith.constant dense<0.000000e+00> : vector<512xf32>
    %reduce_sum3A_711 = vector.multi_reduction <add>, %select_n3A_709, %reduce_sum3A_710 [1] : vector<512x128xf32> to vector<512xf32>
    %broadcast_in_dim3A_712 = vector.shape_cast %reduce_sum3A_711 : vector<512xf32> to vector<512x1xf32>
    %add3A_713 = arith.addf %add3A_685, %broadcast_in_dim3A_712 : vector<512x1xf32>
    %get3A_714 = arith.constant 3200 : index
    %get3A_715 = arith.constant 0 : index
    %get3A_716 = vector.load %arg2[%get3A_714, %get3A_715] : memref<5120x128xbf16, #tpu.memory_space<vmem>>, vector<128x128xbf16>
    %dot_general3A_717 = arith.constant dense<0.000000e+00> : vector<512x128xf32>
    %dot_general3A_718 = tpu.matmul %convert_element_type3A, %get3A_716, %dot_general3A_717 {dimension_numbers = #tpu.dot_dimension_numbers<[1], [1], [0], [0], [0, 0, 1, 0], [], []>, transpose_lhs_hint = false} : vector<512x128xbf16>, vector<128x128xbf16>, vector<512x128xf32> -> vector<512x128xf32>
    %sub3A_719 = arith.constant 5.770780e+01 : f32
    %sub3A_720 = vector.broadcast %sub3A_719 : f32 to vector<512x128xf32>
    %sub3A_721 = arith.subf %dot_general3A_718, %sub3A_720 : vector<512x128xf32>
    %exp23A_722 = math.exp2 %sub3A_721 : vector<512x128xf32>
    %get3A_723 = arith.constant 3200 : index
    %get3A_724 = arith.constant 0 : index
    %get3A_725 = vector.load %arg3[%get3A_723, %get3A_724] : memref<5120x1xf32, #tpu.memory_space<vmem>>, vector<128x1xf32>
    %dot_general3A_726 = arith.constant dense<0.000000e+00> : vector<512x1xf32>
    %dot_general3A_727 = tpu.matmul %exp23A_722, %get3A_725, %dot_general3A_726 {dimension_numbers = #tpu.dot_dimension_numbers<[1], [0], [0], [1], [0, 0, 1, 1], [], []>, transpose_lhs_hint = false} : vector<512x128xf32>, vector<128x1xf32>, vector<512x1xf32> -> vector<512x1xf32>
    %add3A_728 = arith.addf %add3A_700, %dot_general3A_727 : vector<512x1xf32>
    %iota3A_729 = tpu.iota {dimensions = array<i32: 1>} : vector<512x128xi32>
    %add3A_730 = arith.constant 3200 : i32
    %add3A_731 = vector.broadcast %add3A_730 : i32 to vector<512x128xi32>
    %add3A_732 = arith.addi %add3A_731, %iota3A_729 : vector<512x128xi32>
    %eq3A_733 = vector.broadcast %broadcast_in_dim3A_17 : vector<512x1xi32> to vector<512x128xi32>
    %eq3A_734 = arith.cmpi eq, %add3A_732, %eq3A_733 : vector<512x128xi32>
    %jit3A_735 = arith.constant 0.000000e+00 : f32
    %broadcast_in_dim3A_736 = vector.broadcast %jit3A_735 : f32 to vector<512x128xf32>
    %select_n3A_737 = arith.select %eq3A_734, %dot_general3A_718, %broadcast_in_dim3A_736 : vector<512x128xi1>, vector<512x128xf32>
    %reduce_sum3A_738 = arith.constant dense<0.000000e+00> : vector<512xf32>
    %reduce_sum3A_739 = vector.multi_reduction <add>, %select_n3A_737, %reduce_sum3A_738 [1] : vector<512x128xf32> to vector<512xf32>
    %broadcast_in_dim3A_740 = vector.shape_cast %reduce_sum3A_739 : vector<512xf32> to vector<512x1xf32>
    %add3A_741 = arith.addf %add3A_713, %broadcast_in_dim3A_740 : vector<512x1xf32>
    %get3A_742 = arith.constant 3328 : index
    %get3A_743 = arith.constant 0 : index
    %get3A_744 = vector.load %arg2[%get3A_742, %get3A_743] : memref<5120x128xbf16, #tpu.memory_space<vmem>>, vector<128x128xbf16>
    %dot_general3A_745 = arith.constant dense<0.000000e+00> : vector<512x128xf32>
    %dot_general3A_746 = tpu.matmul %convert_element_type3A, %get3A_744, %dot_general3A_745 {dimension_numbers = #tpu.dot_dimension_numbers<[1], [1], [0], [0], [0, 0, 1, 0], [], []>, transpose_lhs_hint = false} : vector<512x128xbf16>, vector<128x128xbf16>, vector<512x128xf32> -> vector<512x128xf32>
    %sub3A_747 = arith.constant 5.770780e+01 : f32
    %sub3A_748 = vector.broadcast %sub3A_747 : f32 to vector<512x128xf32>
    %sub3A_749 = arith.subf %dot_general3A_746, %sub3A_748 : vector<512x128xf32>
    %exp23A_750 = math.exp2 %sub3A_749 : vector<512x128xf32>
    %get3A_751 = arith.constant 3328 : index
    %get3A_752 = arith.constant 0 : index
    %get3A_753 = vector.load %arg3[%get3A_751, %get3A_752] : memref<5120x1xf32, #tpu.memory_space<vmem>>, vector<128x1xf32>
    %dot_general3A_754 = arith.constant dense<0.000000e+00> : vector<512x1xf32>
    %dot_general3A_755 = tpu.matmul %exp23A_750, %get3A_753, %dot_general3A_754 {dimension_numbers = #tpu.dot_dimension_numbers<[1], [0], [0], [1], [0, 0, 1, 1], [], []>, transpose_lhs_hint = false} : vector<512x128xf32>, vector<128x1xf32>, vector<512x1xf32> -> vector<512x1xf32>
    %add3A_756 = arith.addf %add3A_728, %dot_general3A_755 : vector<512x1xf32>
    %iota3A_757 = tpu.iota {dimensions = array<i32: 1>} : vector<512x128xi32>
    %add3A_758 = arith.constant 3328 : i32
    %add3A_759 = vector.broadcast %add3A_758 : i32 to vector<512x128xi32>
    %add3A_760 = arith.addi %add3A_759, %iota3A_757 : vector<512x128xi32>
    %eq3A_761 = vector.broadcast %broadcast_in_dim3A_17 : vector<512x1xi32> to vector<512x128xi32>
    %eq3A_762 = arith.cmpi eq, %add3A_760, %eq3A_761 : vector<512x128xi32>
    %jit3A_763 = arith.constant 0.000000e+00 : f32
    %broadcast_in_dim3A_764 = vector.broadcast %jit3A_763 : f32 to vector<512x128xf32>
    %select_n3A_765 = arith.select %eq3A_762, %dot_general3A_746, %broadcast_in_dim3A_764 : vector<512x128xi1>, vector<512x128xf32>
    %reduce_sum3A_766 = arith.constant dense<0.000000e+00> : vector<512xf32>
    %reduce_sum3A_767 = vector.multi_reduction <add>, %select_n3A_765, %reduce_sum3A_766 [1] : vector<512x128xf32> to vector<512xf32>
    %broadcast_in_dim3A_768 = vector.shape_cast %reduce_sum3A_767 : vector<512xf32> to vector<512x1xf32>
    %add3A_769 = arith.addf %add3A_741, %broadcast_in_dim3A_768 : vector<512x1xf32>
    %get3A_770 = arith.constant 3456 : index
    %get3A_771 = arith.constant 0 : index
    %get3A_772 = vector.load %arg2[%get3A_770, %get3A_771] : memref<5120x128xbf16, #tpu.memory_space<vmem>>, vector<128x128xbf16>
    %dot_general3A_773 = arith.constant dense<0.000000e+00> : vector<512x128xf32>
    %dot_general3A_774 = tpu.matmul %convert_element_type3A, %get3A_772, %dot_general3A_773 {dimension_numbers = #tpu.dot_dimension_numbers<[1], [1], [0], [0], [0, 0, 1, 0], [], []>, transpose_lhs_hint = false} : vector<512x128xbf16>, vector<128x128xbf16>, vector<512x128xf32> -> vector<512x128xf32>
    %sub3A_775 = arith.constant 5.770780e+01 : f32
    %sub3A_776 = vector.broadcast %sub3A_775 : f32 to vector<512x128xf32>
    %sub3A_777 = arith.subf %dot_general3A_774, %sub3A_776 : vector<512x128xf32>
    %exp23A_778 = math.exp2 %sub3A_777 : vector<512x128xf32>
    %get3A_779 = arith.constant 3456 : index
    %get3A_780 = arith.constant 0 : index
    %get3A_781 = vector.load %arg3[%get3A_779, %get3A_780] : memref<5120x1xf32, #tpu.memory_space<vmem>>, vector<128x1xf32>
    %dot_general3A_782 = arith.constant dense<0.000000e+00> : vector<512x1xf32>
    %dot_general3A_783 = tpu.matmul %exp23A_778, %get3A_781, %dot_general3A_782 {dimension_numbers = #tpu.dot_dimension_numbers<[1], [0], [0], [1], [0, 0, 1, 1], [], []>, transpose_lhs_hint = false} : vector<512x128xf32>, vector<128x1xf32>, vector<512x1xf32> -> vector<512x1xf32>
    %add3A_784 = arith.addf %add3A_756, %dot_general3A_783 : vector<512x1xf32>
    %iota3A_785 = tpu.iota {dimensions = array<i32: 1>} : vector<512x128xi32>
    %add3A_786 = arith.constant 3456 : i32
    %add3A_787 = vector.broadcast %add3A_786 : i32 to vector<512x128xi32>
    %add3A_788 = arith.addi %add3A_787, %iota3A_785 : vector<512x128xi32>
    %eq3A_789 = vector.broadcast %broadcast_in_dim3A_17 : vector<512x1xi32> to vector<512x128xi32>
    %eq3A_790 = arith.cmpi eq, %add3A_788, %eq3A_789 : vector<512x128xi32>
    %jit3A_791 = arith.constant 0.000000e+00 : f32
    %broadcast_in_dim3A_792 = vector.broadcast %jit3A_791 : f32 to vector<512x128xf32>
    %select_n3A_793 = arith.select %eq3A_790, %dot_general3A_774, %broadcast_in_dim3A_792 : vector<512x128xi1>, vector<512x128xf32>
    %reduce_sum3A_794 = arith.constant dense<0.000000e+00> : vector<512xf32>
    %reduce_sum3A_795 = vector.multi_reduction <add>, %select_n3A_793, %reduce_sum3A_794 [1] : vector<512x128xf32> to vector<512xf32>
    %broadcast_in_dim3A_796 = vector.shape_cast %reduce_sum3A_795 : vector<512xf32> to vector<512x1xf32>
    %add3A_797 = arith.addf %add3A_769, %broadcast_in_dim3A_796 : vector<512x1xf32>
    %get3A_798 = arith.constant 3584 : index
    %get3A_799 = arith.constant 0 : index
    %get3A_800 = vector.load %arg2[%get3A_798, %get3A_799] : memref<5120x128xbf16, #tpu.memory_space<vmem>>, vector<128x128xbf16>
    %dot_general3A_801 = arith.constant dense<0.000000e+00> : vector<512x128xf32>
    %dot_general3A_802 = tpu.matmul %convert_element_type3A, %get3A_800, %dot_general3A_801 {dimension_numbers = #tpu.dot_dimension_numbers<[1], [1], [0], [0], [0, 0, 1, 0], [], []>, transpose_lhs_hint = false} : vector<512x128xbf16>, vector<128x128xbf16>, vector<512x128xf32> -> vector<512x128xf32>
    %sub3A_803 = arith.constant 5.770780e+01 : f32
    %sub3A_804 = vector.broadcast %sub3A_803 : f32 to vector<512x128xf32>
    %sub3A_805 = arith.subf %dot_general3A_802, %sub3A_804 : vector<512x128xf32>
    %exp23A_806 = math.exp2 %sub3A_805 : vector<512x128xf32>
    %get3A_807 = arith.constant 3584 : index
    %get3A_808 = arith.constant 0 : index
    %get3A_809 = vector.load %arg3[%get3A_807, %get3A_808] : memref<5120x1xf32, #tpu.memory_space<vmem>>, vector<128x1xf32>
    %dot_general3A_810 = arith.constant dense<0.000000e+00> : vector<512x1xf32>
    %dot_general3A_811 = tpu.matmul %exp23A_806, %get3A_809, %dot_general3A_810 {dimension_numbers = #tpu.dot_dimension_numbers<[1], [0], [0], [1], [0, 0, 1, 1], [], []>, transpose_lhs_hint = false} : vector<512x128xf32>, vector<128x1xf32>, vector<512x1xf32> -> vector<512x1xf32>
    %add3A_812 = arith.addf %add3A_784, %dot_general3A_811 : vector<512x1xf32>
    %iota3A_813 = tpu.iota {dimensions = array<i32: 1>} : vector<512x128xi32>
    %add3A_814 = arith.constant 3584 : i32
    %add3A_815 = vector.broadcast %add3A_814 : i32 to vector<512x128xi32>
    %add3A_816 = arith.addi %add3A_815, %iota3A_813 : vector<512x128xi32>
    %eq3A_817 = vector.broadcast %broadcast_in_dim3A_17 : vector<512x1xi32> to vector<512x128xi32>
    %eq3A_818 = arith.cmpi eq, %add3A_816, %eq3A_817 : vector<512x128xi32>
    %jit3A_819 = arith.constant 0.000000e+00 : f32
    %broadcast_in_dim3A_820 = vector.broadcast %jit3A_819 : f32 to vector<512x128xf32>
    %select_n3A_821 = arith.select %eq3A_818, %dot_general3A_802, %broadcast_in_dim3A_820 : vector<512x128xi1>, vector<512x128xf32>
    %reduce_sum3A_822 = arith.constant dense<0.000000e+00> : vector<512xf32>
    %reduce_sum3A_823 = vector.multi_reduction <add>, %select_n3A_821, %reduce_sum3A_822 [1] : vector<512x128xf32> to vector<512xf32>
    %broadcast_in_dim3A_824 = vector.shape_cast %reduce_sum3A_823 : vector<512xf32> to vector<512x1xf32>
    %add3A_825 = arith.addf %add3A_797, %broadcast_in_dim3A_824 : vector<512x1xf32>
    %get3A_826 = arith.constant 3712 : index
    %get3A_827 = arith.constant 0 : index
    %get3A_828 = vector.load %arg2[%get3A_826, %get3A_827] : memref<5120x128xbf16, #tpu.memory_space<vmem>>, vector<128x128xbf16>
    %dot_general3A_829 = arith.constant dense<0.000000e+00> : vector<512x128xf32>
    %dot_general3A_830 = tpu.matmul %convert_element_type3A, %get3A_828, %dot_general3A_829 {dimension_numbers = #tpu.dot_dimension_numbers<[1], [1], [0], [0], [0, 0, 1, 0], [], []>, transpose_lhs_hint = false} : vector<512x128xbf16>, vector<128x128xbf16>, vector<512x128xf32> -> vector<512x128xf32>
    %sub3A_831 = arith.constant 5.770780e+01 : f32
    %sub3A_832 = vector.broadcast %sub3A_831 : f32 to vector<512x128xf32>
    %sub3A_833 = arith.subf %dot_general3A_830, %sub3A_832 : vector<512x128xf32>
    %exp23A_834 = math.exp2 %sub3A_833 : vector<512x128xf32>
    %get3A_835 = arith.constant 3712 : index
    %get3A_836 = arith.constant 0 : index
    %get3A_837 = vector.load %arg3[%get3A_835, %get3A_836] : memref<5120x1xf32, #tpu.memory_space<vmem>>, vector<128x1xf32>
    %dot_general3A_838 = arith.constant dense<0.000000e+00> : vector<512x1xf32>
    %dot_general3A_839 = tpu.matmul %exp23A_834, %get3A_837, %dot_general3A_838 {dimension_numbers = #tpu.dot_dimension_numbers<[1], [0], [0], [1], [0, 0, 1, 1], [], []>, transpose_lhs_hint = false} : vector<512x128xf32>, vector<128x1xf32>, vector<512x1xf32> -> vector<512x1xf32>
    %add3A_840 = arith.addf %add3A_812, %dot_general3A_839 : vector<512x1xf32>
    %iota3A_841 = tpu.iota {dimensions = array<i32: 1>} : vector<512x128xi32>
    %add3A_842 = arith.constant 3712 : i32
    %add3A_843 = vector.broadcast %add3A_842 : i32 to vector<512x128xi32>
    %add3A_844 = arith.addi %add3A_843, %iota3A_841 : vector<512x128xi32>
    %eq3A_845 = vector.broadcast %broadcast_in_dim3A_17 : vector<512x1xi32> to vector<512x128xi32>
    %eq3A_846 = arith.cmpi eq, %add3A_844, %eq3A_845 : vector<512x128xi32>
    %jit3A_847 = arith.constant 0.000000e+00 : f32
    %broadcast_in_dim3A_848 = vector.broadcast %jit3A_847 : f32 to vector<512x128xf32>
    %select_n3A_849 = arith.select %eq3A_846, %dot_general3A_830, %broadcast_in_dim3A_848 : vector<512x128xi1>, vector<512x128xf32>
    %reduce_sum3A_850 = arith.constant dense<0.000000e+00> : vector<512xf32>
    %reduce_sum3A_851 = vector.multi_reduction <add>, %select_n3A_849, %reduce_sum3A_850 [1] : vector<512x128xf32> to vector<512xf32>
    %broadcast_in_dim3A_852 = vector.shape_cast %reduce_sum3A_851 : vector<512xf32> to vector<512x1xf32>
    %add3A_853 = arith.addf %add3A_825, %broadcast_in_dim3A_852 : vector<512x1xf32>
    %get3A_854 = arith.constant 3840 : index
    %get3A_855 = arith.constant 0 : index
    %get3A_856 = vector.load %arg2[%get3A_854, %get3A_855] : memref<5120x128xbf16, #tpu.memory_space<vmem>>, vector<128x128xbf16>
    %dot_general3A_857 = arith.constant dense<0.000000e+00> : vector<512x128xf32>
    %dot_general3A_858 = tpu.matmul %convert_element_type3A, %get3A_856, %dot_general3A_857 {dimension_numbers = #tpu.dot_dimension_numbers<[1], [1], [0], [0], [0, 0, 1, 0], [], []>, transpose_lhs_hint = false} : vector<512x128xbf16>, vector<128x128xbf16>, vector<512x128xf32> -> vector<512x128xf32>
    %sub3A_859 = arith.constant 5.770780e+01 : f32
    %sub3A_860 = vector.broadcast %sub3A_859 : f32 to vector<512x128xf32>
    %sub3A_861 = arith.subf %dot_general3A_858, %sub3A_860 : vector<512x128xf32>
    %exp23A_862 = math.exp2 %sub3A_861 : vector<512x128xf32>
    %get3A_863 = arith.constant 3840 : index
    %get3A_864 = arith.constant 0 : index
    %get3A_865 = vector.load %arg3[%get3A_863, %get3A_864] : memref<5120x1xf32, #tpu.memory_space<vmem>>, vector<128x1xf32>
    %dot_general3A_866 = arith.constant dense<0.000000e+00> : vector<512x1xf32>
    %dot_general3A_867 = tpu.matmul %exp23A_862, %get3A_865, %dot_general3A_866 {dimension_numbers = #tpu.dot_dimension_numbers<[1], [0], [0], [1], [0, 0, 1, 1], [], []>, transpose_lhs_hint = false} : vector<512x128xf32>, vector<128x1xf32>, vector<512x1xf32> -> vector<512x1xf32>
    %add3A_868 = arith.addf %add3A_840, %dot_general3A_867 : vector<512x1xf32>
    %iota3A_869 = tpu.iota {dimensions = array<i32: 1>} : vector<512x128xi32>
    %add3A_870 = arith.constant 3840 : i32
    %add3A_871 = vector.broadcast %add3A_870 : i32 to vector<512x128xi32>
    %add3A_872 = arith.addi %add3A_871, %iota3A_869 : vector<512x128xi32>
    %eq3A_873 = vector.broadcast %broadcast_in_dim3A_17 : vector<512x1xi32> to vector<512x128xi32>
    %eq3A_874 = arith.cmpi eq, %add3A_872, %eq3A_873 : vector<512x128xi32>
    %jit3A_875 = arith.constant 0.000000e+00 : f32
    %broadcast_in_dim3A_876 = vector.broadcast %jit3A_875 : f32 to vector<512x128xf32>
    %select_n3A_877 = arith.select %eq3A_874, %dot_general3A_858, %broadcast_in_dim3A_876 : vector<512x128xi1>, vector<512x128xf32>
    %reduce_sum3A_878 = arith.constant dense<0.000000e+00> : vector<512xf32>
    %reduce_sum3A_879 = vector.multi_reduction <add>, %select_n3A_877, %reduce_sum3A_878 [1] : vector<512x128xf32> to vector<512xf32>
    %broadcast_in_dim3A_880 = vector.shape_cast %reduce_sum3A_879 : vector<512xf32> to vector<512x1xf32>
    %add3A_881 = arith.addf %add3A_853, %broadcast_in_dim3A_880 : vector<512x1xf32>
    %get3A_882 = arith.constant 3968 : index
    %get3A_883 = arith.constant 0 : index
    %get3A_884 = vector.load %arg2[%get3A_882, %get3A_883] : memref<5120x128xbf16, #tpu.memory_space<vmem>>, vector<128x128xbf16>
    %dot_general3A_885 = arith.constant dense<0.000000e+00> : vector<512x128xf32>
    %dot_general3A_886 = tpu.matmul %convert_element_type3A, %get3A_884, %dot_general3A_885 {dimension_numbers = #tpu.dot_dimension_numbers<[1], [1], [0], [0], [0, 0, 1, 0], [], []>, transpose_lhs_hint = false} : vector<512x128xbf16>, vector<128x128xbf16>, vector<512x128xf32> -> vector<512x128xf32>
    %sub3A_887 = arith.constant 5.770780e+01 : f32
    %sub3A_888 = vector.broadcast %sub3A_887 : f32 to vector<512x128xf32>
    %sub3A_889 = arith.subf %dot_general3A_886, %sub3A_888 : vector<512x128xf32>
    %exp23A_890 = math.exp2 %sub3A_889 : vector<512x128xf32>
    %get3A_891 = arith.constant 3968 : index
    %get3A_892 = arith.constant 0 : index
    %get3A_893 = vector.load %arg3[%get3A_891, %get3A_892] : memref<5120x1xf32, #tpu.memory_space<vmem>>, vector<128x1xf32>
    %dot_general3A_894 = arith.constant dense<0.000000e+00> : vector<512x1xf32>
    %dot_general3A_895 = tpu.matmul %exp23A_890, %get3A_893, %dot_general3A_894 {dimension_numbers = #tpu.dot_dimension_numbers<[1], [0], [0], [1], [0, 0, 1, 1], [], []>, transpose_lhs_hint = false} : vector<512x128xf32>, vector<128x1xf32>, vector<512x1xf32> -> vector<512x1xf32>
    %add3A_896 = arith.addf %add3A_868, %dot_general3A_895 : vector<512x1xf32>
    %iota3A_897 = tpu.iota {dimensions = array<i32: 1>} : vector<512x128xi32>
    %add3A_898 = arith.constant 3968 : i32
    %add3A_899 = vector.broadcast %add3A_898 : i32 to vector<512x128xi32>
    %add3A_900 = arith.addi %add3A_899, %iota3A_897 : vector<512x128xi32>
    %eq3A_901 = vector.broadcast %broadcast_in_dim3A_17 : vector<512x1xi32> to vector<512x128xi32>
    %eq3A_902 = arith.cmpi eq, %add3A_900, %eq3A_901 : vector<512x128xi32>
    %jit3A_903 = arith.constant 0.000000e+00 : f32
    %broadcast_in_dim3A_904 = vector.broadcast %jit3A_903 : f32 to vector<512x128xf32>
    %select_n3A_905 = arith.select %eq3A_902, %dot_general3A_886, %broadcast_in_dim3A_904 : vector<512x128xi1>, vector<512x128xf32>
    %reduce_sum3A_906 = arith.constant dense<0.000000e+00> : vector<512xf32>
    %reduce_sum3A_907 = vector.multi_reduction <add>, %select_n3A_905, %reduce_sum3A_906 [1] : vector<512x128xf32> to vector<512xf32>
    %broadcast_in_dim3A_908 = vector.shape_cast %reduce_sum3A_907 : vector<512xf32> to vector<512x1xf32>
    %add3A_909 = arith.addf %add3A_881, %broadcast_in_dim3A_908 : vector<512x1xf32>
    %get3A_910 = arith.constant 4096 : index
    %get3A_911 = arith.constant 0 : index
    %get3A_912 = vector.load %arg2[%get3A_910, %get3A_911] : memref<5120x128xbf16, #tpu.memory_space<vmem>>, vector<128x128xbf16>
    %dot_general3A_913 = arith.constant dense<0.000000e+00> : vector<512x128xf32>
    %dot_general3A_914 = tpu.matmul %convert_element_type3A, %get3A_912, %dot_general3A_913 {dimension_numbers = #tpu.dot_dimension_numbers<[1], [1], [0], [0], [0, 0, 1, 0], [], []>, transpose_lhs_hint = false} : vector<512x128xbf16>, vector<128x128xbf16>, vector<512x128xf32> -> vector<512x128xf32>
    %sub3A_915 = arith.constant 5.770780e+01 : f32
    %sub3A_916 = vector.broadcast %sub3A_915 : f32 to vector<512x128xf32>
    %sub3A_917 = arith.subf %dot_general3A_914, %sub3A_916 : vector<512x128xf32>
    %exp23A_918 = math.exp2 %sub3A_917 : vector<512x128xf32>
    %get3A_919 = arith.constant 4096 : index
    %get3A_920 = arith.constant 0 : index
    %get3A_921 = vector.load %arg3[%get3A_919, %get3A_920] : memref<5120x1xf32, #tpu.memory_space<vmem>>, vector<128x1xf32>
    %dot_general3A_922 = arith.constant dense<0.000000e+00> : vector<512x1xf32>
    %dot_general3A_923 = tpu.matmul %exp23A_918, %get3A_921, %dot_general3A_922 {dimension_numbers = #tpu.dot_dimension_numbers<[1], [0], [0], [1], [0, 0, 1, 1], [], []>, transpose_lhs_hint = false} : vector<512x128xf32>, vector<128x1xf32>, vector<512x1xf32> -> vector<512x1xf32>
    %add3A_924 = arith.addf %add3A_896, %dot_general3A_923 : vector<512x1xf32>
    %iota3A_925 = tpu.iota {dimensions = array<i32: 1>} : vector<512x128xi32>
    %add3A_926 = arith.constant 4096 : i32
    %add3A_927 = vector.broadcast %add3A_926 : i32 to vector<512x128xi32>
    %add3A_928 = arith.addi %add3A_927, %iota3A_925 : vector<512x128xi32>
    %eq3A_929 = vector.broadcast %broadcast_in_dim3A_17 : vector<512x1xi32> to vector<512x128xi32>
    %eq3A_930 = arith.cmpi eq, %add3A_928, %eq3A_929 : vector<512x128xi32>
    %jit3A_931 = arith.constant 0.000000e+00 : f32
    %broadcast_in_dim3A_932 = vector.broadcast %jit3A_931 : f32 to vector<512x128xf32>
    %select_n3A_933 = arith.select %eq3A_930, %dot_general3A_914, %broadcast_in_dim3A_932 : vector<512x128xi1>, vector<512x128xf32>
    %reduce_sum3A_934 = arith.constant dense<0.000000e+00> : vector<512xf32>
    %reduce_sum3A_935 = vector.multi_reduction <add>, %select_n3A_933, %reduce_sum3A_934 [1] : vector<512x128xf32> to vector<512xf32>
    %broadcast_in_dim3A_936 = vector.shape_cast %reduce_sum3A_935 : vector<512xf32> to vector<512x1xf32>
    %add3A_937 = arith.addf %add3A_909, %broadcast_in_dim3A_936 : vector<512x1xf32>
    %get3A_938 = arith.constant 4224 : index
    %get3A_939 = arith.constant 0 : index
    %get3A_940 = vector.load %arg2[%get3A_938, %get3A_939] : memref<5120x128xbf16, #tpu.memory_space<vmem>>, vector<128x128xbf16>
    %dot_general3A_941 = arith.constant dense<0.000000e+00> : vector<512x128xf32>
    %dot_general3A_942 = tpu.matmul %convert_element_type3A, %get3A_940, %dot_general3A_941 {dimension_numbers = #tpu.dot_dimension_numbers<[1], [1], [0], [0], [0, 0, 1, 0], [], []>, transpose_lhs_hint = false} : vector<512x128xbf16>, vector<128x128xbf16>, vector<512x128xf32> -> vector<512x128xf32>
    %sub3A_943 = arith.constant 5.770780e+01 : f32
    %sub3A_944 = vector.broadcast %sub3A_943 : f32 to vector<512x128xf32>
    %sub3A_945 = arith.subf %dot_general3A_942, %sub3A_944 : vector<512x128xf32>
    %exp23A_946 = math.exp2 %sub3A_945 : vector<512x128xf32>
    %get3A_947 = arith.constant 4224 : index
    %get3A_948 = arith.constant 0 : index
    %get3A_949 = vector.load %arg3[%get3A_947, %get3A_948] : memref<5120x1xf32, #tpu.memory_space<vmem>>, vector<128x1xf32>
    %dot_general3A_950 = arith.constant dense<0.000000e+00> : vector<512x1xf32>
    %dot_general3A_951 = tpu.matmul %exp23A_946, %get3A_949, %dot_general3A_950 {dimension_numbers = #tpu.dot_dimension_numbers<[1], [0], [0], [1], [0, 0, 1, 1], [], []>, transpose_lhs_hint = false} : vector<512x128xf32>, vector<128x1xf32>, vector<512x1xf32> -> vector<512x1xf32>
    %add3A_952 = arith.addf %add3A_924, %dot_general3A_951 : vector<512x1xf32>
    %iota3A_953 = tpu.iota {dimensions = array<i32: 1>} : vector<512x128xi32>
    %add3A_954 = arith.constant 4224 : i32
    %add3A_955 = vector.broadcast %add3A_954 : i32 to vector<512x128xi32>
    %add3A_956 = arith.addi %add3A_955, %iota3A_953 : vector<512x128xi32>
    %eq3A_957 = vector.broadcast %broadcast_in_dim3A_17 : vector<512x1xi32> to vector<512x128xi32>
    %eq3A_958 = arith.cmpi eq, %add3A_956, %eq3A_957 : vector<512x128xi32>
    %jit3A_959 = arith.constant 0.000000e+00 : f32
    %broadcast_in_dim3A_960 = vector.broadcast %jit3A_959 : f32 to vector<512x128xf32>
    %select_n3A_961 = arith.select %eq3A_958, %dot_general3A_942, %broadcast_in_dim3A_960 : vector<512x128xi1>, vector<512x128xf32>
    %reduce_sum3A_962 = arith.constant dense<0.000000e+00> : vector<512xf32>
    %reduce_sum3A_963 = vector.multi_reduction <add>, %select_n3A_961, %reduce_sum3A_962 [1] : vector<512x128xf32> to vector<512xf32>
    %broadcast_in_dim3A_964 = vector.shape_cast %reduce_sum3A_963 : vector<512xf32> to vector<512x1xf32>
    %add3A_965 = arith.addf %add3A_937, %broadcast_in_dim3A_964 : vector<512x1xf32>
    %get3A_966 = arith.constant 4352 : index
    %get3A_967 = arith.constant 0 : index
    %get3A_968 = vector.load %arg2[%get3A_966, %get3A_967] : memref<5120x128xbf16, #tpu.memory_space<vmem>>, vector<128x128xbf16>
    %dot_general3A_969 = arith.constant dense<0.000000e+00> : vector<512x128xf32>
    %dot_general3A_970 = tpu.matmul %convert_element_type3A, %get3A_968, %dot_general3A_969 {dimension_numbers = #tpu.dot_dimension_numbers<[1], [1], [0], [0], [0, 0, 1, 0], [], []>, transpose_lhs_hint = false} : vector<512x128xbf16>, vector<128x128xbf16>, vector<512x128xf32> -> vector<512x128xf32>
    %sub3A_971 = arith.constant 5.770780e+01 : f32
    %sub3A_972 = vector.broadcast %sub3A_971 : f32 to vector<512x128xf32>
    %sub3A_973 = arith.subf %dot_general3A_970, %sub3A_972 : vector<512x128xf32>
    %exp23A_974 = math.exp2 %sub3A_973 : vector<512x128xf32>
    %get3A_975 = arith.constant 4352 : index
    %get3A_976 = arith.constant 0 : index
    %get3A_977 = vector.load %arg3[%get3A_975, %get3A_976] : memref<5120x1xf32, #tpu.memory_space<vmem>>, vector<128x1xf32>
    %dot_general3A_978 = arith.constant dense<0.000000e+00> : vector<512x1xf32>
    %dot_general3A_979 = tpu.matmul %exp23A_974, %get3A_977, %dot_general3A_978 {dimension_numbers = #tpu.dot_dimension_numbers<[1], [0], [0], [1], [0, 0, 1, 1], [], []>, transpose_lhs_hint = false} : vector<512x128xf32>, vector<128x1xf32>, vector<512x1xf32> -> vector<512x1xf32>
    %add3A_980 = arith.addf %add3A_952, %dot_general3A_979 : vector<512x1xf32>
    %iota3A_981 = tpu.iota {dimensions = array<i32: 1>} : vector<512x128xi32>
    %add3A_982 = arith.constant 4352 : i32
    %add3A_983 = vector.broadcast %add3A_982 : i32 to vector<512x128xi32>
    %add3A_984 = arith.addi %add3A_983, %iota3A_981 : vector<512x128xi32>
    %eq3A_985 = vector.broadcast %broadcast_in_dim3A_17 : vector<512x1xi32> to vector<512x128xi32>
    %eq3A_986 = arith.cmpi eq, %add3A_984, %eq3A_985 : vector<512x128xi32>
    %jit3A_987 = arith.constant 0.000000e+00 : f32
    %broadcast_in_dim3A_988 = vector.broadcast %jit3A_987 : f32 to vector<512x128xf32>
    %select_n3A_989 = arith.select %eq3A_986, %dot_general3A_970, %broadcast_in_dim3A_988 : vector<512x128xi1>, vector<512x128xf32>
    %reduce_sum3A_990 = arith.constant dense<0.000000e+00> : vector<512xf32>
    %reduce_sum3A_991 = vector.multi_reduction <add>, %select_n3A_989, %reduce_sum3A_990 [1] : vector<512x128xf32> to vector<512xf32>
    %broadcast_in_dim3A_992 = vector.shape_cast %reduce_sum3A_991 : vector<512xf32> to vector<512x1xf32>
    %add3A_993 = arith.addf %add3A_965, %broadcast_in_dim3A_992 : vector<512x1xf32>
    %get3A_994 = arith.constant 4480 : index
    %get3A_995 = arith.constant 0 : index
    %get3A_996 = vector.load %arg2[%get3A_994, %get3A_995] : memref<5120x128xbf16, #tpu.memory_space<vmem>>, vector<128x128xbf16>
    %dot_general3A_997 = arith.constant dense<0.000000e+00> : vector<512x128xf32>
    %dot_general3A_998 = tpu.matmul %convert_element_type3A, %get3A_996, %dot_general3A_997 {dimension_numbers = #tpu.dot_dimension_numbers<[1], [1], [0], [0], [0, 0, 1, 0], [], []>, transpose_lhs_hint = false} : vector<512x128xbf16>, vector<128x128xbf16>, vector<512x128xf32> -> vector<512x128xf32>
    %sub3A_999 = arith.constant 5.770780e+01 : f32
    %sub3A_1000 = vector.broadcast %sub3A_999 : f32 to vector<512x128xf32>
    %sub3A_1001 = arith.subf %dot_general3A_998, %sub3A_1000 : vector<512x128xf32>
    %exp23A_1002 = math.exp2 %sub3A_1001 : vector<512x128xf32>
    %get3A_1003 = arith.constant 4480 : index
    %get3A_1004 = arith.constant 0 : index
    %get3A_1005 = vector.load %arg3[%get3A_1003, %get3A_1004] : memref<5120x1xf32, #tpu.memory_space<vmem>>, vector<128x1xf32>
    %dot_general3A_1006 = arith.constant dense<0.000000e+00> : vector<512x1xf32>
    %dot_general3A_1007 = tpu.matmul %exp23A_1002, %get3A_1005, %dot_general3A_1006 {dimension_numbers = #tpu.dot_dimension_numbers<[1], [0], [0], [1], [0, 0, 1, 1], [], []>, transpose_lhs_hint = false} : vector<512x128xf32>, vector<128x1xf32>, vector<512x1xf32> -> vector<512x1xf32>
    %add3A_1008 = arith.addf %add3A_980, %dot_general3A_1007 : vector<512x1xf32>
    %iota3A_1009 = tpu.iota {dimensions = array<i32: 1>} : vector<512x128xi32>
    %add3A_1010 = arith.constant 4480 : i32
    %add3A_1011 = vector.broadcast %add3A_1010 : i32 to vector<512x128xi32>
    %add3A_1012 = arith.addi %add3A_1011, %iota3A_1009 : vector<512x128xi32>
    %eq3A_1013 = vector.broadcast %broadcast_in_dim3A_17 : vector<512x1xi32> to vector<512x128xi32>
    %eq3A_1014 = arith.cmpi eq, %add3A_1012, %eq3A_1013 : vector<512x128xi32>
    %jit3A_1015 = arith.constant 0.000000e+00 : f32
    %broadcast_in_dim3A_1016 = vector.broadcast %jit3A_1015 : f32 to vector<512x128xf32>
    %select_n3A_1017 = arith.select %eq3A_1014, %dot_general3A_998, %broadcast_in_dim3A_1016 : vector<512x128xi1>, vector<512x128xf32>
    %reduce_sum3A_1018 = arith.constant dense<0.000000e+00> : vector<512xf32>
    %reduce_sum3A_1019 = vector.multi_reduction <add>, %select_n3A_1017, %reduce_sum3A_1018 [1] : vector<512x128xf32> to vector<512xf32>
    %broadcast_in_dim3A_1020 = vector.shape_cast %reduce_sum3A_1019 : vector<512xf32> to vector<512x1xf32>
    %add3A_1021 = arith.addf %add3A_993, %broadcast_in_dim3A_1020 : vector<512x1xf32>
    %get3A_1022 = arith.constant 4608 : index
    %get3A_1023 = arith.constant 0 : index
    %get3A_1024 = vector.load %arg2[%get3A_1022, %get3A_1023] : memref<5120x128xbf16, #tpu.memory_space<vmem>>, vector<128x128xbf16>
    %dot_general3A_1025 = arith.constant dense<0.000000e+00> : vector<512x128xf32>
    %dot_general3A_1026 = tpu.matmul %convert_element_type3A, %get3A_1024, %dot_general3A_1025 {dimension_numbers = #tpu.dot_dimension_numbers<[1], [1], [0], [0], [0, 0, 1, 0], [], []>, transpose_lhs_hint = false} : vector<512x128xbf16>, vector<128x128xbf16>, vector<512x128xf32> -> vector<512x128xf32>
    %sub3A_1027 = arith.constant 5.770780e+01 : f32
    %sub3A_1028 = vector.broadcast %sub3A_1027 : f32 to vector<512x128xf32>
    %sub3A_1029 = arith.subf %dot_general3A_1026, %sub3A_1028 : vector<512x128xf32>
    %exp23A_1030 = math.exp2 %sub3A_1029 : vector<512x128xf32>
    %get3A_1031 = arith.constant 4608 : index
    %get3A_1032 = arith.constant 0 : index
    %get3A_1033 = vector.load %arg3[%get3A_1031, %get3A_1032] : memref<5120x1xf32, #tpu.memory_space<vmem>>, vector<128x1xf32>
    %dot_general3A_1034 = arith.constant dense<0.000000e+00> : vector<512x1xf32>
    %dot_general3A_1035 = tpu.matmul %exp23A_1030, %get3A_1033, %dot_general3A_1034 {dimension_numbers = #tpu.dot_dimension_numbers<[1], [0], [0], [1], [0, 0, 1, 1], [], []>, transpose_lhs_hint = false} : vector<512x128xf32>, vector<128x1xf32>, vector<512x1xf32> -> vector<512x1xf32>
    %add3A_1036 = arith.addf %add3A_1008, %dot_general3A_1035 : vector<512x1xf32>
    %iota3A_1037 = tpu.iota {dimensions = array<i32: 1>} : vector<512x128xi32>
    %add3A_1038 = arith.constant 4608 : i32
    %add3A_1039 = vector.broadcast %add3A_1038 : i32 to vector<512x128xi32>
    %add3A_1040 = arith.addi %add3A_1039, %iota3A_1037 : vector<512x128xi32>
    %eq3A_1041 = vector.broadcast %broadcast_in_dim3A_17 : vector<512x1xi32> to vector<512x128xi32>
    %eq3A_1042 = arith.cmpi eq, %add3A_1040, %eq3A_1041 : vector<512x128xi32>
    %jit3A_1043 = arith.constant 0.000000e+00 : f32
    %broadcast_in_dim3A_1044 = vector.broadcast %jit3A_1043 : f32 to vector<512x128xf32>
    %select_n3A_1045 = arith.select %eq3A_1042, %dot_general3A_1026, %broadcast_in_dim3A_1044 : vector<512x128xi1>, vector<512x128xf32>
    %reduce_sum3A_1046 = arith.constant dense<0.000000e+00> : vector<512xf32>
    %reduce_sum3A_1047 = vector.multi_reduction <add>, %select_n3A_1045, %reduce_sum3A_1046 [1] : vector<512x128xf32> to vector<512xf32>
    %broadcast_in_dim3A_1048 = vector.shape_cast %reduce_sum3A_1047 : vector<512xf32> to vector<512x1xf32>
    %add3A_1049 = arith.addf %add3A_1021, %broadcast_in_dim3A_1048 : vector<512x1xf32>
    %get3A_1050 = arith.constant 4736 : index
    %get3A_1051 = arith.constant 0 : index
    %get3A_1052 = vector.load %arg2[%get3A_1050, %get3A_1051] : memref<5120x128xbf16, #tpu.memory_space<vmem>>, vector<128x128xbf16>
    %dot_general3A_1053 = arith.constant dense<0.000000e+00> : vector<512x128xf32>
    %dot_general3A_1054 = tpu.matmul %convert_element_type3A, %get3A_1052, %dot_general3A_1053 {dimension_numbers = #tpu.dot_dimension_numbers<[1], [1], [0], [0], [0, 0, 1, 0], [], []>, transpose_lhs_hint = false} : vector<512x128xbf16>, vector<128x128xbf16>, vector<512x128xf32> -> vector<512x128xf32>
    %sub3A_1055 = arith.constant 5.770780e+01 : f32
    %sub3A_1056 = vector.broadcast %sub3A_1055 : f32 to vector<512x128xf32>
    %sub3A_1057 = arith.subf %dot_general3A_1054, %sub3A_1056 : vector<512x128xf32>
    %exp23A_1058 = math.exp2 %sub3A_1057 : vector<512x128xf32>
    %get3A_1059 = arith.constant 4736 : index
    %get3A_1060 = arith.constant 0 : index
    %get3A_1061 = vector.load %arg3[%get3A_1059, %get3A_1060] : memref<5120x1xf32, #tpu.memory_space<vmem>>, vector<128x1xf32>
    %dot_general3A_1062 = arith.constant dense<0.000000e+00> : vector<512x1xf32>
    %dot_general3A_1063 = tpu.matmul %exp23A_1058, %get3A_1061, %dot_general3A_1062 {dimension_numbers = #tpu.dot_dimension_numbers<[1], [0], [0], [1], [0, 0, 1, 1], [], []>, transpose_lhs_hint = false} : vector<512x128xf32>, vector<128x1xf32>, vector<512x1xf32> -> vector<512x1xf32>
    %add3A_1064 = arith.addf %add3A_1036, %dot_general3A_1063 : vector<512x1xf32>
    %iota3A_1065 = tpu.iota {dimensions = array<i32: 1>} : vector<512x128xi32>
    %add3A_1066 = arith.constant 4736 : i32
    %add3A_1067 = vector.broadcast %add3A_1066 : i32 to vector<512x128xi32>
    %add3A_1068 = arith.addi %add3A_1067, %iota3A_1065 : vector<512x128xi32>
    %eq3A_1069 = vector.broadcast %broadcast_in_dim3A_17 : vector<512x1xi32> to vector<512x128xi32>
    %eq3A_1070 = arith.cmpi eq, %add3A_1068, %eq3A_1069 : vector<512x128xi32>
    %jit3A_1071 = arith.constant 0.000000e+00 : f32
    %broadcast_in_dim3A_1072 = vector.broadcast %jit3A_1071 : f32 to vector<512x128xf32>
    %select_n3A_1073 = arith.select %eq3A_1070, %dot_general3A_1054, %broadcast_in_dim3A_1072 : vector<512x128xi1>, vector<512x128xf32>
    %reduce_sum3A_1074 = arith.constant dense<0.000000e+00> : vector<512xf32>
    %reduce_sum3A_1075 = vector.multi_reduction <add>, %select_n3A_1073, %reduce_sum3A_1074 [1] : vector<512x128xf32> to vector<512xf32>
    %broadcast_in_dim3A_1076 = vector.shape_cast %reduce_sum3A_1075 : vector<512xf32> to vector<512x1xf32>
    %add3A_1077 = arith.addf %add3A_1049, %broadcast_in_dim3A_1076 : vector<512x1xf32>
    %get3A_1078 = arith.constant 4864 : index
    %get3A_1079 = arith.constant 0 : index
    %get3A_1080 = vector.load %arg2[%get3A_1078, %get3A_1079] : memref<5120x128xbf16, #tpu.memory_space<vmem>>, vector<128x128xbf16>
    %dot_general3A_1081 = arith.constant dense<0.000000e+00> : vector<512x128xf32>
    %dot_general3A_1082 = tpu.matmul %convert_element_type3A, %get3A_1080, %dot_general3A_1081 {dimension_numbers = #tpu.dot_dimension_numbers<[1], [1], [0], [0], [0, 0, 1, 0], [], []>, transpose_lhs_hint = false} : vector<512x128xbf16>, vector<128x128xbf16>, vector<512x128xf32> -> vector<512x128xf32>
    %sub3A_1083 = arith.constant 5.770780e+01 : f32
    %sub3A_1084 = vector.broadcast %sub3A_1083 : f32 to vector<512x128xf32>
    %sub3A_1085 = arith.subf %dot_general3A_1082, %sub3A_1084 : vector<512x128xf32>
    %exp23A_1086 = math.exp2 %sub3A_1085 : vector<512x128xf32>
    %get3A_1087 = arith.constant 4864 : index
    %get3A_1088 = arith.constant 0 : index
    %get3A_1089 = vector.load %arg3[%get3A_1087, %get3A_1088] : memref<5120x1xf32, #tpu.memory_space<vmem>>, vector<128x1xf32>
    %dot_general3A_1090 = arith.constant dense<0.000000e+00> : vector<512x1xf32>
    %dot_general3A_1091 = tpu.matmul %exp23A_1086, %get3A_1089, %dot_general3A_1090 {dimension_numbers = #tpu.dot_dimension_numbers<[1], [0], [0], [1], [0, 0, 1, 1], [], []>, transpose_lhs_hint = false} : vector<512x128xf32>, vector<128x1xf32>, vector<512x1xf32> -> vector<512x1xf32>
    %add3A_1092 = arith.addf %add3A_1064, %dot_general3A_1091 : vector<512x1xf32>
    %iota3A_1093 = tpu.iota {dimensions = array<i32: 1>} : vector<512x128xi32>
    %add3A_1094 = arith.constant 4864 : i32
    %add3A_1095 = vector.broadcast %add3A_1094 : i32 to vector<512x128xi32>
    %add3A_1096 = arith.addi %add3A_1095, %iota3A_1093 : vector<512x128xi32>
    %eq3A_1097 = vector.broadcast %broadcast_in_dim3A_17 : vector<512x1xi32> to vector<512x128xi32>
    %eq3A_1098 = arith.cmpi eq, %add3A_1096, %eq3A_1097 : vector<512x128xi32>
    %jit3A_1099 = arith.constant 0.000000e+00 : f32
    %broadcast_in_dim3A_1100 = vector.broadcast %jit3A_1099 : f32 to vector<512x128xf32>
    %select_n3A_1101 = arith.select %eq3A_1098, %dot_general3A_1082, %broadcast_in_dim3A_1100 : vector<512x128xi1>, vector<512x128xf32>
    %reduce_sum3A_1102 = arith.constant dense<0.000000e+00> : vector<512xf32>
    %reduce_sum3A_1103 = vector.multi_reduction <add>, %select_n3A_1101, %reduce_sum3A_1102 [1] : vector<512x128xf32> to vector<512xf32>
    %broadcast_in_dim3A_1104 = vector.shape_cast %reduce_sum3A_1103 : vector<512xf32> to vector<512x1xf32>
    %add3A_1105 = arith.addf %add3A_1077, %broadcast_in_dim3A_1104 : vector<512x1xf32>
    %get3A_1106 = arith.constant 4992 : index
    %get3A_1107 = arith.constant 0 : index
    %get3A_1108 = vector.load %arg2[%get3A_1106, %get3A_1107] : memref<5120x128xbf16, #tpu.memory_space<vmem>>, vector<128x128xbf16>
    %dot_general3A_1109 = arith.constant dense<0.000000e+00> : vector<512x128xf32>
    %dot_general3A_1110 = tpu.matmul %convert_element_type3A, %get3A_1108, %dot_general3A_1109 {dimension_numbers = #tpu.dot_dimension_numbers<[1], [1], [0], [0], [0, 0, 1, 0], [], []>, transpose_lhs_hint = false} : vector<512x128xbf16>, vector<128x128xbf16>, vector<512x128xf32> -> vector<512x128xf32>
    %sub3A_1111 = arith.constant 5.770780e+01 : f32
    %sub3A_1112 = vector.broadcast %sub3A_1111 : f32 to vector<512x128xf32>
    %sub3A_1113 = arith.subf %dot_general3A_1110, %sub3A_1112 : vector<512x128xf32>
    %exp23A_1114 = math.exp2 %sub3A_1113 : vector<512x128xf32>
    %get3A_1115 = arith.constant 4992 : index
    %get3A_1116 = arith.constant 0 : index
    %get3A_1117 = vector.load %arg3[%get3A_1115, %get3A_1116] : memref<5120x1xf32, #tpu.memory_space<vmem>>, vector<128x1xf32>
    %dot_general3A_1118 = arith.constant dense<0.000000e+00> : vector<512x1xf32>
    %dot_general3A_1119 = tpu.matmul %exp23A_1114, %get3A_1117, %dot_general3A_1118 {dimension_numbers = #tpu.dot_dimension_numbers<[1], [0], [0], [1], [0, 0, 1, 1], [], []>, transpose_lhs_hint = false} : vector<512x128xf32>, vector<128x1xf32>, vector<512x1xf32> -> vector<512x1xf32>
    %add3A_1120 = arith.addf %add3A_1092, %dot_general3A_1119 : vector<512x1xf32>
    %iota3A_1121 = tpu.iota {dimensions = array<i32: 1>} : vector<512x128xi32>
    %add3A_1122 = arith.constant 4992 : i32
    %add3A_1123 = vector.broadcast %add3A_1122 : i32 to vector<512x128xi32>
    %add3A_1124 = arith.addi %add3A_1123, %iota3A_1121 : vector<512x128xi32>
    %eq3A_1125 = vector.broadcast %broadcast_in_dim3A_17 : vector<512x1xi32> to vector<512x128xi32>
    %eq3A_1126 = arith.cmpi eq, %add3A_1124, %eq3A_1125 : vector<512x128xi32>
    %jit3A_1127 = arith.constant 0.000000e+00 : f32
    %broadcast_in_dim3A_1128 = vector.broadcast %jit3A_1127 : f32 to vector<512x128xf32>
    %select_n3A_1129 = arith.select %eq3A_1126, %dot_general3A_1110, %broadcast_in_dim3A_1128 : vector<512x128xi1>, vector<512x128xf32>
    %reduce_sum3A_1130 = arith.constant dense<0.000000e+00> : vector<512xf32>
    %reduce_sum3A_1131 = vector.multi_reduction <add>, %select_n3A_1129, %reduce_sum3A_1130 [1] : vector<512x128xf32> to vector<512xf32>
    %broadcast_in_dim3A_1132 = vector.shape_cast %reduce_sum3A_1131 : vector<512xf32> to vector<512x1xf32>
    %add3A_1133 = arith.addf %add3A_1105, %broadcast_in_dim3A_1132 : vector<512x1xf32>
    %sub3A_1134 = arith.constant 5.770780e+01 : f32
    %sub3A_1135 = vector.broadcast %sub3A_1134 : f32 to vector<512x1xf32>
    %sub3A_1136 = arith.subf %sub3A_1135, %add3A_1133 : vector<512x1xf32>
    %mul3A_1137 = arith.constant 0.693147182 : f32
    %mul3A_1138 = vector.broadcast %mul3A_1137 : f32 to vector<512x1xf32>
    %mul3A_1139 = arith.mulf %sub3A_1136, %mul3A_1138 : vector<512x1xf32>
    %log3A = math.log %add3A_1120 : vector<512x1xf32>
    %add3A_1140 = arith.addf %mul3A_1139, %log3A : vector<512x1xf32>
    %swap3A = arith.constant 0 : index
    %swap3A_1141 = arith.constant 0 : index
    %swap3A_1142 = arith.constant 0 : index
    %swap3A_1143 = vector.load %arg5[%swap3A, %swap3A_1141, %swap3A_1142] : memref<1x512x1xf32, #tpu.memory_space<vmem>>, vector<1x512x1xf32>
    %swap3A_1144 = vector.shape_cast %swap3A_1143 : vector<1x512x1xf32> to vector<512x1xf32>
    %swap3A_1145 = vector.shape_cast %add3A_1140 : vector<512x1xf32> to vector<1x512x1xf32>
    tpu.vector_store %arg5[%swap3A, %swap3A_1141, %swap3A_1142], %swap3A_1145 {strides = array<i32>} : memref<1x512x1xf32, #tpu.memory_space<vmem>>, vector<1x512x1xf32>,
    return
  }
  func.func @transform_0(%arg0: i32) -> (i32, i32, i32) {
    %c0_i32 = arith.constant 0 : i32
    %c0_i32_0 = arith.constant 0 : i32
    %c0_i32_1 = arith.constant 0 : i32
    return %arg0, %c0_i32, %c0_i32_0 : i32, i32, i32
  }
  func.func @transform_1(%arg0: i32) -> (i32, i32) {
    %c0_i32 = arith.constant 0 : i32
    %c0_i32_0 = arith.constant 0 : i32
    %c0_i32_1 = arith.constant 0 : i32
    return %c0_i32, %c0_i32_0 : i32, i32
  }
  func.func @transform_2(%arg0: i32) -> (i32, i32) {
    %c0_i32 = arith.constant 0 : i32
    %c0_i32_0 = arith.constant 0 : i32
    %c0_i32_1 = arith.constant 0 : i32
    return %c0_i32, %c0_i32_0 : i32, i32
  }
  func.func @transform_3(%arg0: i32) -> (i32, i32, i32) {
    %c0_i32 = arith.constant 0 : i32
    %c0_i32_0 = arith.constant 0 : i32
    %c0_i32_1 = arith.constant 0 : i32
    return %arg0, %c0_i32, %c0_i32_0 : i32, i32, i32
  }
  func.func @transform_4(%arg0: i32) -> (i32, i32, i32) {
    %c0_i32 = arith.constant 0 : i32
    %c0_i32_0 = arith.constant 0 : i32
    %c0_i32_1 = arith.constant 0 : i32
    return %arg0, %c0_i32, %c0_i32_0 : i32, i32, i32
  }
}

module attributes {stable_mosaic.version = 14 : i64} {
  func.func @_finish_body(%arg0: memref<64x128xf32, #tpu.memory_space<vmem>>, %arg1: memref<64x128xf32, #tpu.memory_space<vmem>>, %arg2: memref<1x1xf32, #tpu.memory_space<vmem>>) attributes {dimension_semantics = [], scalar_prefetch = 0 : i64, scratch_operands = 0 : i64, tpu.core_type = #tpu.core_type<tc>} {
    %get3A = arith.constant 0 : index
    %get3A_0 = arith.constant 0 : index
    %get3A_1 = vector.load %arg0[%get3A, %get3A_0] : memref<64x128xf32, #tpu.memory_space<vmem>>, vector<64x128xf32>
    %get3A_2 = arith.constant 0 : index
    %get3A_3 = arith.constant 0 : index
    %get3A_4 = vector.load %arg1[%get3A_2, %get3A_3] : memref<64x128xf32, #tpu.memory_space<vmem>>, vector<64x128xf32>
    %mul3A = arith.mulf %get3A_1, %get3A_4 : vector<64x128xf32>
    %reduce_sum3A = vector.shape_cast %mul3A : vector<64x128xf32> to vector<1x64x128xf32>
    %reduce_sum3A_5 = arith.constant dense<0.000000e+00> : vector<1xf32>
    %reduce_sum3A_6 = vector.multi_reduction <add>, %reduce_sum3A, %reduce_sum3A_5 [1, 2] : vector<1x64x128xf32> to vector<1xf32>
    %reduce_sum3A_7 = vector.shape_cast %reduce_sum3A_6 : vector<1xf32> to vector<1x1x1xf32>
    %reduce_sum3A_8 = vector.extract %reduce_sum3A_7[0, 0, 0] : f32 from vector<1x1x1xf32>
    %reduce_sum3A_9 = vector.shape_cast %get3A_4 : vector<64x128xf32> to vector<1x64x128xf32>
    %reduce_sum3A_10 = arith.constant dense<0.000000e+00> : vector<1xf32>
    %reduce_sum3A_11 = vector.multi_reduction <add>, %reduce_sum3A_9, %reduce_sum3A_10 [1, 2] : vector<1x64x128xf32> to vector<1xf32>
    %reduce_sum3A_12 = vector.shape_cast %reduce_sum3A_11 : vector<1xf32> to vector<1x1x1xf32>
    %reduce_sum3A_13 = vector.extract %reduce_sum3A_12[0, 0, 0] : f32 from vector<1x1x1xf32>
    %max3A = arith.constant 1.000000e+00 : f32
    %max3A_14 = arith.maximumf %reduce_sum3A_13, %max3A : f32
    %div3A = arith.divf %reduce_sum3A_8, %max3A_14 : f32
    %broadcast_in_dim3A = vector.broadcast %div3A : f32 to vector<1x1xf32>
    %swap3A = arith.constant 0 : index
    %swap3A_15 = arith.constant 0 : index
    %swap3A_16 = vector.load %arg2[%swap3A, %swap3A_15] : memref<1x1xf32, #tpu.memory_space<vmem>>, vector<1x1xf32>
    tpu.vector_store %arg2[%swap3A, %swap3A_15], %broadcast_in_dim3A {strides = array<i32>} : memref<1x1xf32, #tpu.memory_space<vmem>>, vector<1x1xf32>,
    return
  }
}

</mosaic_0001>

<sc_bundles>
// kernel: kernel.6.cloned.1.call-start
scs
__scs_entry_jumppad:
0x0: {  	(pc) =	sbr.rel $0x88, $3  }
0x1: {  	(tag) =	ssettag $0x0;
	lr =	simm.s32 $0x1  }
0x2: {  	[smem:$0x3F9C] =	sst lr;
	_ =	strace $0xD0000000  }
0x3: {  	_ = 	snop  }
0x4: {  	_ = 	snop  }
0x5: {  	_ = 	snop  }
0x6: {  	_ = 	snop  }
0x7: {  	_ = 	snop  }
__scs_overlays_trampoline_lowered:
0x8: {  	[smem:$0x3FAB] =	sst s0  }
0x9: {  	[smem:$0x3FAC] =	sst s1  }
0xa: {  	[smem:$0x3FAD] =	sst s2  }
0xb: {  	[smem:$0x3FAE] =	sst s3  }
0xc: {  	[smem:$0x3FAF] =	sst s4  }
0xd: {  	[smem:$0x3FB0] =	sst s5  }
0xe: {  	[smem:$0x3FB1] =	sst s6  }
0xf: {  	[smem:$0x3FB2] =	sst s7  }
0x10: {  	[smem:$0x3FB3] =	sst s8  }
0x11: {  	[smem:$0x3FB4] =	sst s9;
	s0 =	simm.s32 @!p0 $0x0  }
0x12: {  	s1 =	sld [smem:$0x3F9A];
	s0 =	simm.s32 @p0 $0x1  }
0x13: {  	[smem:$0x3FB5] =	sst s0;
	s0 =	simm.s32 @!p1 $0x0  }
0x14: {  	s2 =	sld [smem:$0x3F99];
	s0 =	simm.s32 @p1 $0x1  }
0x15: {  	[smem:$0x3FB6] =	sst s0;
	s0 =	simm.s32 @!p2 $0x0  }
0x16: {  	s3 =	sld [smem:$0x3FDB];
	s0 =	simm.s32 @p2 $0x1  }
0x17: {  	s4 =	simm.s32 $0x1BF5;
	[smem:$0x3FB8] =	sst s0  }
0x18: {  	s0 =	sld [smem:$0x3F9B];
	_ =	swait.ge [sflag:s4], $0x0  }
0x19: {  	s7 =	sld [smem:$0x3F9C]  }
0x1a: {  	s8 =	sadd.s32 $0xFFFFE003, lr  }
0x1b: {  	s9 =	sadd.s32 $0xFFFFFEF7, lr;
	s5 =	simm.s32 $0xFFFFFFFF;
	p2 =	slt.u32 s8, $0xFFFFF086  }
0x1c: {  	p1 =	slt.u32 s9, $0xF7A;
	s5 =	simm.s32 @!p2 $0x0  }
0x1d: {  	s5 =	simm.s32 @p1 $0x1;
	p0 =	seq.s32 s7, s2  }
0x1e: {  	s7 =	smul.u32 @!p0 $0xF7A, s2;
	p2 =	seq.s32 @!p0 s5, $0x0  }
0x1f: {  	s9 =	smul.u32 $0xF7A, s1;
	s8 =	simm.s32 @!p0 $0x1BF5;
	p2 =	por !p2, p0  }
0x20: {  	[sflag:s8] =	ssyncset.s32 @!p0 $0xFFFFF086;
	s6 =	sadd.s32 @!p0 s3, s7;
	s7 =	simm.s32 @!p0 $0x108  }
0x21: {  	s3 =	sadd.s32 s3, s9;
	s6 =	sadd.s32 @!p0 $0x88, s6;
	s7 =	simm.s32 @p2 $0x1082  }
0x22: {  	[simem:s7], [sflag:s8] =	dma.local @!p0 [hbm:s6], $0xF7A  }
0x23: {  	s9 =	sor.u32 $0xD0000000, s2;
	s6 =	simm.s32 $0x108;
	_ =	swait.ge @!p0 [sflag:s8], $0x0  }
0x24: {  	s3 =	sadd.s32 $0x88, s3;
	s6 =	simm.s32 @!p1 $0x1082;
	[sflag:s4] =	ssyncset.s32 $0xFFFFF086  }
0x25: {  	[simem:s6], [sflag:s4] =	dma.local [hbm:s3], $0xF7A  }
0x26: {  	[smem:$0x3F9C] =	sst s1;
	(tag) =	ssettag s2;
	_ =	strace s9  }
0x27: {  	s1 =	sld [smem:$0x3FAC]  }
0x28: {  	s2 =	sld [smem:$0x3FAD]  }
0x29: {  	s4 =	sld [smem:$0x3FAF]  }
0x2a: {  	p0 =	seq.s32 s5, $0x0;
	s5 =	sld [smem:$0x3FB0]  }
0x2b: {  	s6 =	sld [smem:$0x3FB1]  }
0x2c: {  	s7 =	sld [smem:$0x3FB2]  }
0x2d: {  	s3 =	simm.s32 $0x108;
	s8 =	sld [smem:$0x3FB3]  }
0x2e: {  	s3 =	simm.s32 @!p0 $0x1082;
	s9 =	sld [smem:$0x3FB4]  }
0x2f: {  	lr =	sadd.s32 s0, s3;
	s0 =	sld [smem:$0x3FAB]  }
0x30: {  	s3 =	sld [smem:$0x3FAE]  }
0x31: {  	[smem:$0x3FB7] =	sst s10  }
0x32: {  	s10 =	sld [smem:$0x3FB5];
	_ =	sdelay $0x3  }
0x33: {  	p0 =	seq.s32 s10, $0x1;
	s10 =	sld [smem:$0x3FB7];
	_ =	sdelay $0x3  }
0x34: {  	[smem:$0x3FB7] =	sst s10  }
0x35: {  	s10 =	sld [smem:$0x3FB6];
	_ =	sdelay $0x3  }
0x36: {  	p1 =	seq.s32 s10, $0x1;
	s10 =	sld [smem:$0x3FB7];
	_ =	sdelay $0x3  }
0x37: {  	[smem:$0x3FB7] =	sst s10  }
0x38: {  	s10 =	sld [smem:$0x3FB8]  }
0x39: {  	_ = 	snop;
	(pc) =	sbr.ind lr, $3  }
0x3a: {  	_ = 	snop  }
0x3b: {  	_ = 	snop  }
0x3c: {  	p2 =	seq.s32 s10, $0x1;
	s10 =	sld [smem:$0x3FB7]  }
0x3d: {  	_ =	shalt  }
0x3e: {  	_ =	shalt  }
0x3f: {  	_ =	shalt  }
0x40: {  	_ =	shalt  }
0x41: {  	_ =	shalt  }
0x42: {  	_ =	shalt  }
0x43: {  	_ =	shalt  }
0x44: {  	_ =	shalt  }
0x45: {  	_ =	shalt  }
0x46: {  	_ =	shalt  }
0x47: {  	_ =	shalt  }
0x48: {  	_ =	shalt  }
0x49: {  	_ =	shalt  }
0x4a: {  	_ =	shalt  }
0x4b: {  	_ =	shalt  }
0x4c: {  	_ =	shalt  }
0x4d: {  	_ =	shalt  }
0x4e: {  	_ =	shalt  }
0x4f: {  	_ =	shalt  }
0x50: {  	_ =	shalt  }
0x51: {  	_ =	shalt  }
0x52: {  	_ =	shalt  }
0x53: {  	_ =	shalt  }
0x54: {  	_ =	shalt  }
0x55: {  	_ =	shalt  }
0x56: {  	_ =	shalt  }
0x57: {  	_ =	shalt  }
0x58: {  	_ =	shalt  }
0x59: {  	_ =	shalt  }
0x5a: {  	_ =	shalt  }
0x5b: {  	_ =	shalt  }
0x5c: {  	_ =	shalt  }
0x5d: {  	_ =	shalt  }
0x5e: {  	_ =	shalt  }
0x5f: {  	_ =	shalt  }
0x60: {  	_ =	shalt  }
0x61: {  	_ =	shalt  }
0x62: {  	_ =	shalt  }
0x63: {  	_ =	shalt  }
0x64: {  	_ =	shalt  }
0x65: {  	_ =	shalt  }
0x66: {  	_ =	shalt  }
0x67: {  	_ =	shalt  }
0x68: {  	_ =	shalt  }
0x69: {  	_ =	shalt  }
0x6a: {  	_ =	shalt  }
0x6b: {  	_ =	shalt  }
0x6c: {  	_ =	shalt  }
0x6d: {  	_ =	shalt  }
0x6e: {  	_ =	shalt  }
0x6f: {  	_ =	shalt  }
0x70: {  	_ =	shalt  }
0x71: {  	_ =	shalt  }
0x72: {  	_ =	shalt  }
0x73: {  	_ =	shalt  }
0x74: {  	_ =	shalt  }
0x75: {  	_ =	shalt  }
0x76: {  	_ =	shalt  }
0x77: {  	_ =	shalt  }
0x78: {  	_ =	shalt  }
0x79: {  	_ =	shalt  }
0x7a: {  	_ =	shalt  }
0x7b: {  	_ =	shalt  }
0x7c: {  	_ =	shalt  }
0x7d: {  	_ =	shalt  }
0x7e: {  	_ =	shalt  }
0x7f: {  	_ =	shalt  }
0x80: {  	_ =	shalt  }
0x81: {  	_ =	shalt  }
0x82: {  	_ =	shalt  }
0x83: {  	_ =	shalt  }
0x84: {  	_ =	shalt  }
0x85: {  	_ =	shalt  }
0x86: {  	_ =	shalt  }
0x87: {  	_ =	shalt  }
.Lfunc_end0:
.L_simem_size_0:
called_computation_lowered:
.L_overlay_start_0:
0x88: {  	s2 =	sld [smem:$0x3FD9]  }
0x89: {  	s3 =	sld [smem:$0x3FFE];
	_ =	sdelay $0x1  }
0x8a: {  	s1 =	srdreg.scid  }
0x8b: {  	s0 =	sand.u32 $0x1, s1  }
0x8c: {  	s16 =	sshll.u32 s0, $0xA;
	s2 =	sadd.s32 s3, s2  }
0x8d: {  	s2 =	sadd.s32 s2, s16  }
0x8e: {  	[smem:$0x3FC3] =	sst s2  }
0x8f: {  	_ = 	snop  }
0x90: {  	(tm) =	ssettm $0x1  }
0x91: {  	s17 =	sld [smem:$0x3FFB];
	_ =	sdelay $0x3  }
0x92: {  	_ =	strace s17  }
0x93: {  	s2 =	sld [smem:$0x3FFC];
	_ =	sdelay $0x3  }
0x94: {  	_ =	strace s2  }
0x95: {  	s2 =	sld [smem:$0x3FFD];
	_ =	sdelay $0x3  }
0x96: {  	_ =	strace s2  }
0x97: {  	_ =	strace $0x8FFFFFFF  }
0x98: {  	s18 =	sld [smem:$0x3FDB];
	_ =	sdelay $0x1  }
0x99: {  	s19 =	simm.s32 $_scs_section_size  }
0x9a: {  	s4 =	simm.s32 $_size__tile_overlayer_lowered;
	s5 =	simm.s32 $_tile_overlayer_lowered  }
0x9b: {  	s22 =	simm.s32 $0x1BFF;
	s21 =	sshll.u32 s5, $0x1;
	s2 =	sadd.s32 s19, s18  }
0x9c: {  	s6 =	simm.s32 $0x0;
	s20 =	sshll.u32 s4, $0x1;
	s4 =	sadd.s32 s21, s2  }
0x9d: {  	[timem:s6], [sflag:s22] =	dma.local [hbm:s4], s20  }
0x9e: {  	_ =	swait.ge [sflag:s22], s20  }
0x9f: {  	s3 =	ssub.s32 $0x0, s20;
	[sflag:s22] =	ssyncset.done $0x0  }
0xa0: {  	[sflag:s22] =	ssyncadd.s32 s3;
	_ =	sdelay $0x1  }
0xa1: {  	s23 =	simm.s32 $0x1B8B  }
0xa2: {  	_ =	swait.ge [sflag:s23], $0x1  }
0xa3: {  	[sflag:s23] =	ssyncset.done $0x0  }
0xa4: {  	s25 =	simm.s32 $0x1B8E;
	s24 =	sld [smem:$0x3FFE];
	[sflag:s23] =	ssyncadd.s32 $0xFFFFFFFF  }
0xa5: {  	s26 =	simm.s32 $execute0_lowered;
	[smem:$0x3FD2] =	sst s25  }
0xa6: {  	s4 =	sshll.u32 s26, $0x1;
	_ =	strace $0x80000046;
	[dreg:$0x1] =	wrdreg $0xFFFFFFFF  }
0xa7: {  	s28 =	simm.s32 $_size_execute0_lowered;
	s2 =	sadd.s32 s2, s4;
	[dreg:$0x0] =	wrdreg $0x0  }
0xa8: {  	s4 =	sshll.u32 s28, $0x1;
	[dreg:$0x2] =	wrdreg s2  }
0xa9: {  	[dreg:$0x3] =	wrdreg s4  }
0xaa: {  	[dreg:$0x4] =	wrdreg $0xC0  }
0xab: {  	_ =	task [dreg:s6], $0x5FFFF  }
0xac: {  	[dreg:$0x1] =	wrdreg $0xFFFFFFFF  }
0xad: {  	[dreg:$0x0] =	wrdreg $0x60  }
0xae: {  	[dreg:$0x2] =	wrdreg s24  }
0xaf: {  	[dreg:$0x3] =	wrdreg $0x9  }
0xb0: {  	_ =	task.clear_ibuf [dreg:s6], $0x4FFFF;
	_ =	strace $0x90000046  }
0xb1: {  	s29 =	simm.s32 $0x9;
	_ =	strace $0x80000048  }
0xb2: {  	_ =	swait.ge [sflag:s29], $0x1  }
0xb3: {  	[sflag:s29] =	ssyncadd.s32 $0xFFFFFFFF  }
0xb4: {  	_ =	strace $0x90000048  }
0xb5: {  	_ =	sfence  }
0xb6: {  	s30 =	sld [smem:$0x0];
	_ =	sdelay $0x2  }
0xb7: {  	s31 =	sshll.u32 s1, $0xD;
	s1 =	sshrl.u32 s1, $0x2  }
0xb8: {  	s3 =	sand.u32 $0x4000, s31;
	s1 =	sadd.s32 s1, s30  }
0xb9: {  	s0 =	sor.u32 s3, s0;
	s1 =	sshll.u32 s1, $0x11  }
0xba: {  	s0 =	sor.u32 s1, s0  }
0xbb: {  	s0 =	sadd.s32 $0x8F2B, s0  }
0xbc: {  	[sflag:s0] =	ssyncadd.remote.s32 $0x1  }
0xbd: {  	_ =	sfence.sel $0xFFFF  }
0xbe: {  	[dreg:$0x0] =	wrdreg $0xFFFFFFFF;
	(pc) =	sbr.abs _section_cstart, $3  }
0xbf: {  	[dreg:$0x1] =	wrdreg $0xFFFFFFFF  }
0xc0: {  	_ =	task.clear_ibuf [dreg:s6], $0x2FFFF;
	_ =	strace $0x9FFFFFFF  }
0xc1: {  	(tm) =	ssettm $0x7FFFFFFF  }
tec
execute0_lowered:
.L_overlay_start_1:
0x0: {  	(tag) =	ssettag $0x1  }
0x1: {  	s1 =	stileid.u32  }
0x2: {  	p0 =	sgt.u32 s1, $0x3  }
.Ltmp0:
0x3: {  	_ = 	snop;
	(pc) =	sbr.rel @p0 .LBB2_11-.Ltmp0, $4  }
0x4: {  	_ = 	snop  }
0x5: {  	s3 =	rddreg [dreg:$0x0];
	s2 =	simm.s32 $0x0  }
0x6: {  	[smem:$0x7FF] =	sst s2  }
0x7: {  	s0 =	rddreg [dreg:$0x1];
	_ =	strace $0x80000047  }
0x8: {  	s4 =	srdreg.scid  }
0x9: {  	s5 =	sshll.u32 s1, $0x1;
	s4 =	sand.u32 $0x1, s4  }
0xa: {  	s7 =	sadd.s32 $0xE00, s3;
	s10 =	simm.s32 $0x0;
	s5 =	sor.u32 s4, s5  }
0xb: {  	v0 =	vlaneseq.u32;
	s8 =	ssub.s32 $0x2, s4;
	s6 =	smul.u32 $0x300, s5;
	s5 =	sshll.u32 s5, $0x7  }
0xc: {  	s14 =	simm.s32 $0x0;
	v0 =	vmul.u32 $0x6, v0;
	s9 =	sshrl.u32 s8, $0x1;
	s5 =	sadd.s32 s5, s3  }
0xd: {  	s8 =	ssub.s32 s8, s9;
	s9 =	simm.s32 $0x3000;
	s31 =	sadd.s32 s6, s3  }
0xe: {  	v6 =	vimm.f32 $0.0e+00;
	v1 =	vor.u32 $0x1, v0;
	v2 =	vadd.s32 $0x2, v0;
	s4 =	sadd.s32 $0x3E00, s5;
	s5 =	sadd.s32 s7, s6;
	s6 =	smax.u32 s8, $0x1  }
0xf: {  	v3 =	vadd.s32 $0x3, v0;
	v4 =	vadd.s32 $0x4, v0;
	v5 =	vadd.s32 $0x5, v0;
	s7 =	simm.s32 $0x1;
	s8 =	simm.s32 $0x1800;
	s3 =	sadd.s32 $0x2600, s31  }
.LBB2_2:
0x10: {  	s11 =	simm.s32 $0x0  }
0x11: {  	[tilespmem:s11], [sflag:$0x1] =	stream.linear.gather [hbm4b:s5+s11], $0x1800, $0x38;
	[tilespmem:$0x3400] =	vst v63  }
0x12: {  	_ =	swait.ge [sflag:s7], $0x1800  }
0x13: {  	[sflag:s7] =	ssyncset.done $0x0  }
0x14: {  	[sflag:s7] =	ssyncadd.s32 $0xFFFFE800  }
0x15: {  	[tilespmem:s8], [sflag:$0x1] =	stream.linear.gather [hbm4b:s3+s11], $0x1800, $0x38;
	[tilespmem:$0x3400] =	vst v63  }
0x16: {  	_ =	swait.ge [sflag:s7], $0x1800  }
0x17: {  	[sflag:s7] =	ssyncset.done $0x0  }
0x18: {  	s13 =	simm.s32 $0x0;
	[sflag:s7] =	ssyncadd.s32 $0xFFFFE800  }
0x19: {  	v7 =	vld [tilespmem:s13+$0x1800]  }
0x1a: {  	v8 =	vld [tilespmem:s13+$0x1810]  }
0x1b: {  	v10 =	vld [tilespmem:s13+$0x1820]  }
0x1c: {  	v11 =	vld [tilespmem:s13+$0x1830]  }
0x1d: {  	v9 =	vld [tilespmem:s13+$0x1840]  }
0x1e: {  	vm0 =	vgt.s32 v7, $0x0;
	v7 =	vld [tilespmem:s13+$0x1850]  }
0x1f: {  	v12 =	vmpcnt.ones.xlane vm0;
	vm0 =	vgt.s32 v8, $0x0;
	v8 =	vld [tilespmem:s13+$0x1860]  }
0x20: {  	v14 =	vimm.s32 $0x0;
	s12 =	simm.s32 $0x400;
	s11 =	simm.s32 $0x80;
	v13 =	vmpcnt.ones.xlane vm0;
	vm0 =	vgt.s32 v10, $0x0;
	v10 =	vld [tilespmem:s13+$0x1870]  }
.LBB2_3:
0x21: {  	p0 =	sne.s32 s12, $0x5E00;
	v15 =	vld [tilespmem:s11+$0x1800];
	v12 =	vadd.s32 v14, v12;
	v14 =	vmpcnt.ones.xlane vm0;
	vm0 =	vgt.s32 v11, $0x0  }
0x22: {  	v16 =	vld [tilespmem:s11+$0x1810];
	v11 =	vadd.s32 v13, v12;
	v12 =	vmpcnt.ones.xlane vm0;
	vm0 =	vgt.s32 v9, $0x0  }
0x23: {  	v17 =	vld [tilespmem:s11+$0x1820];
	v9 =	vadd.s32 v14, v11;
	v13 =	vmpcnt.ones.xlane vm0;
	vm0 =	vgt.s32 v7, $0x0  }
.Ltmp1:
0x24: {  	v11 =	vld [tilespmem:s11+$0x1830];
	v7 =	vadd.s32 v12, v9;
	v12 =	vmpcnt.ones.xlane vm0;
	vm0 =	vgt.s32 v8, $0x0;
	(pc) =	sbr.rel @p0 .LBB2_3-.Ltmp1, $4  }
0x25: {  	v9 =	vld [tilespmem:s11+$0x1840];
	v8 =	vadd.s32 v13, v7;
	v13 =	vmpcnt.ones.xlane vm0;
	vm0 =	vgt.s32 v10, $0x0  }
0x26: {  	vm1 =	vgt.s32 v15, $0x0;
	v7 =	vld [tilespmem:s11+$0x1850];
	v10 =	vadd.s32 v12, v8;
	v14 =	vmpcnt.ones.xlane vm0  }
0x27: {  	v12 =	vmpcnt.ones.xlane vm1;
	vm0 =	vgt.s32 v16, $0x0;
	v8 =	vld [tilespmem:s11+$0x1860];
	v15 =	vadd.s32 v13, v10  }
0x28: {  	v13 =	vmpcnt.ones.xlane vm0;
	vm0 =	vgt.s32 v17, $0x0;
	v10 =	vld [tilespmem:s11+$0x1870];
	s11 =	sshra.s32 s12, $0x2;
	s12 =	sadd.s32 $0x200, s12;
	v14 =	vadd.s32 v14, v15  }
0x29: {  	v15 =	vld [tilespmem:s11+$0x1800];
	v12 =	vadd.s32 v14, v12;
	v55 =	vmpcnt.ones.xlane vm0;
	vm15 =	vgt.s32 v11, $0x0  }
0x2a: {  	v11 =	vld [tilespmem:s11+$0x1810];
	v12 =	vadd.s32 v13, v12;
	v56 =	vmpcnt.ones.xlane vm15;
	vm4 =	vgt.s32 v9, $0x0  }
0x2b: {  	v9 =	vld [tilespmem:s11+$0x1820];
	v12 =	vadd.s32 v55, v12;
	v57 =	vmpcnt.ones.xlane vm4;
	vm5 =	vgt.s32 v7, $0x0  }
0x2c: {  	v7 =	vld [tilespmem:s11+$0x1830];
	v12 =	vadd.s32 v56, v12;
	v58 =	vmpcnt.ones.xlane vm5;
	vm6 =	vgt.s32 v8, $0x0  }
0x2d: {  	v8 =	vld [tilespmem:s11+$0x1840];
	v12 =	vadd.s32 v57, v12;
	v59 =	vmpcnt.ones.xlane vm6;
	vm7 =	vgt.s32 v10, $0x0  }
0x2e: {  	v10 =	vld [tilespmem:s11+$0x1850];
	vm1 =	vgt.s32 v15, $0x0;
	v12 =	vadd.s32 v58, v12;
	v60 =	vmpcnt.ones.xlane vm7  }
0x2f: {  	vm8 =	vgt.s32 v11, $0x0;
	v11 =	vld [tilespmem:s11+$0x1860];
	v15 =	vmpcnt.ones.xlane vm1;
	v12 =	vadd.s32 v59, v12  }
0x30: {  	v61 =	vmpcnt.ones.xlane vm8;
	vm9 =	vgt.s32 v9, $0x0;
	v9 =	vld [tilespmem:s11+$0x1870];
	v12 =	vadd.s32 v60, v12  }
0x31: {  	v62 =	vmpcnt.ones.xlane vm9;
	vm10 =	vgt.s32 v7, $0x0;
	v12 =	vadd.s32 v12, v15  }
0x32: {  	v63 =	vmpcnt.ones.xlane vm10;
	vm11 =	vgt.s32 v8, $0x0;
	v7 =	vadd.s32 v61, v12  }
0x33: {  	v8 =	vmpcnt.ones.xlane vm11;
	vm12 =	vgt.s32 v10, $0x0;
	v7 =	vadd.s32 v62, v7  }
0x34: {  	v10 =	vmpcnt.ones.xlane vm12;
	vm13 =	vgt.s32 v11, $0x0;
	v7 =	vadd.s32 v63, v7  }
0x35: {  	vm14 =	vgt.s32 v9, $0x0;
	v7 =	vadd.s32 v8, v7;
	v8 =	vmpcnt.ones.xlane vm13  }
0x36: {  	v9 =	vmpcnt.ones.xlane vm14;
	v7 =	vadd.s32 v10, v7  }
0x37: {  	v7 =	vadd.s32 v8, v7  }
0x38: {  	v7 =	vadd.s32 v9, v7  }
0x39: {  	v7 =	vmul.u32 $0xF, v7;
	_ =	sdelay $0x1  }
0x3a: {  	vm15 =	vlt.s32 v7, $0x1800  }
0x3b: {  	s11 =	simm.s32 $0x0;
	v9 =	vimm.s32 $0x7FFFFFFF;
	v8 =	vnsel vm15, $0x1800, v7;
	v7 =	vimm.s32 $0x0  }
.LBB2_5:
0x3c: {  	v11 =	vld [tilespmem:s14+$0x0]  }
0x3d: {  	v10 =	vsub.s32 v9, v7;
	v12 =	vld [tilespmem:s14+$0x10]  }
0x3e: {  	v14 =	vld [tilespmem:s14+$0x20];
	v13 =	vshrl.u32 v10, $0x1  }
0x3f: {  	v15 =	vld [tilespmem:s14+$0x30];
	v10 =	vand.u32 $0x1, v10;
	v13 =	vadd.s32 v7, v13  }
0x40: {  	v10 =	vadd.s32 v10, v13;
	v13 =	vld [tilespmem:s14+$0x40]  }
0x41: {  	vm0 =	vge.s32 v11, v10;
	v11 =	vld [tilespmem:s14+$0x50]  }
0x42: {  	v16 =	vmpcnt.ones.xlane vm0;
	vm0 =	vge.s32 v12, v10;
	v12 =	vld [tilespmem:s14+$0x60]  }
0x43: {  	s12 =	simm.s32 $0x80;
	s13 =	simm.s32 $0x400;
	v18 =	vimm.s32 $0x0;
	v17 =	vmpcnt.ones.xlane vm0;
	vm0 =	vge.s32 v14, v10;
	v14 =	vld [tilespmem:s14+$0x70]  }
.LBB2_6:
0x44: {  	p0 =	sne.s32 s13, $0x5E00;
	v19 =	vld [tilespmem:s12+$0x0];
	v16 =	vadd.s32 v18, v16;
	v18 =	vmpcnt.ones.xlane vm0;
	vm0 =	vge.s32 v15, v10  }
0x45: {  	v20 =	vld [tilespmem:s12+$0x10];
	v15 =	vadd.s32 v17, v16;
	v16 =	vmpcnt.ones.xlane vm0;
	vm0 =	vge.s32 v13, v10  }
0x46: {  	v21 =	vld [tilespmem:s12+$0x20];
	v13 =	vadd.s32 v18, v15;
	v17 =	vmpcnt.ones.xlane vm0;
	vm0 =	vge.s32 v11, v10  }
.Ltmp2:
0x47: {  	v15 =	vld [tilespmem:s12+$0x30];
	v11 =	vadd.s32 v16, v13;
	v16 =	vmpcnt.ones.xlane vm0;
	vm0 =	vge.s32 v12, v10;
	(pc) =	sbr.rel @p0 .LBB2_6-.Ltmp2, $4  }
0x48: {  	v13 =	vld [tilespmem:s12+$0x40];
	v12 =	vadd.s32 v17, v11;
	v17 =	vmpcnt.ones.xlane vm0;
	vm0 =	vge.s32 v14, v10  }
0x49: {  	vm1 =	vge.s32 v19, v10;
	v11 =	vld [tilespmem:s12+$0x50];
	v14 =	vadd.s32 v16, v12;
	v18 =	vmpcnt.ones.xlane vm0  }
0x4a: {  	v16 =	vmpcnt.ones.xlane vm1;
	vm0 =	vge.s32 v20, v10;
	v12 =	vld [tilespmem:s12+$0x60];
	v19 =	vadd.s32 v17, v14  }
0x4b: {  	v17 =	vmpcnt.ones.xlane vm0;
	vm0 =	vge.s32 v21, v10;
	v14 =	vld [tilespmem:s12+$0x70];
	s12 =	sshra.s32 s13, $0x2;
	s13 =	sadd.s32 $0x200, s13;
	v18 =	vadd.s32 v18, v19  }
0x4c: {  	v19 =	vld [tilespmem:s12+$0x0];
	v16 =	vadd.s32 v18, v16;
	v48 =	vmpcnt.ones.xlane vm0;
	vm15 =	vge.s32 v15, v10  }
0x4d: {  	v49 =	vld [tilespmem:s12+$0x10];
	v16 =	vadd.s32 v17, v16;
	v50 =	vmpcnt.ones.xlane vm15;
	vm4 =	vge.s32 v13, v10  }
0x4e: {  	v51 =	vld [tilespmem:s12+$0x20];
	v16 =	vadd.s32 v48, v16;
	v52 =	vmpcnt.ones.xlane vm4;
	vm5 =	vge.s32 v11, v10  }
0x4f: {  	v11 =	vld [tilespmem:s12+$0x30];
	v16 =	vadd.s32 v50, v16;
	v53 =	vmpcnt.ones.xlane vm5;
	vm6 =	vge.s32 v12, v10  }
0x50: {  	v54 =	vld [tilespmem:s12+$0x40];
	v16 =	vadd.s32 v52, v16;
	v55 =	vmpcnt.ones.xlane vm6;
	vm7 =	vge.s32 v14, v10  }
0x51: {  	v56 =	vld [tilespmem:s12+$0x50];
	vm1 =	vge.s32 v19, v10;
	v16 =	vadd.s32 v53, v16;
	v57 =	vmpcnt.ones.xlane vm7  }
0x52: {  	v58 =	vld [tilespmem:s12+$0x60];
	vm8 =	vge.s32 v49, v10;
	v19 =	vmpcnt.ones.xlane vm1;
	v16 =	vadd.s32 v55, v16  }
0x53: {  	v60 =	vld [tilespmem:s12+$0x70];
	vm9 =	vge.s32 v51, v10;
	v59 =	vmpcnt.ones.xlane vm8;
	v16 =	vadd.s32 v57, v16  }
0x54: {  	v61 =	vmpcnt.ones.xlane vm9;
	vm10 =	vge.s32 v11, v10;
	v16 =	vadd.s32 v16, v19  }
0x55: {  	vm11 =	vge.s32 v54, v10;
	v62 =	vmpcnt.ones.xlane vm10;
	v11 =	vadd.s32 v59, v16  }
0x56: {  	vm12 =	vge.s32 v56, v10;
	v12 =	vmpcnt.ones.xlane vm11;
	v11 =	vadd.s32 v61, v11  }
0x57: {  	s11 =	sadd.s32 $0x1, s11;
	vm13 =	vge.s32 v58, v10;
	v14 =	vmpcnt.ones.xlane vm12;
	v11 =	vadd.s32 v62, v11  }
0x58: {  	p0 =	sne.s32 s11, $0x1F;
	vm14 =	vge.s32 v60, v10;
	v63 =	vmpcnt.ones.xlane vm13;
	v11 =	vadd.s32 v12, v11  }
.Ltmp3:
0x59: {  	v13 =	vmpcnt.ones.xlane vm14;
	v11 =	vadd.s32 v14, v11;
	(pc) =	sbr.rel @p0 .LBB2_5-.Ltmp3, $4  }
0x5a: {  	v11 =	vadd.s32 v63, v11  }
0x5b: {  	v11 =	vadd.s32 v13, v11  }
0x5c: {  	vm15 =	vlt.s32 v11, v8;
	v11 =	vadd.s32 $0xFFFFFFFF, v10  }
0x5d: {  	v7 =	vsel vm15, v7, v10;
	v9 =	vsel vm15, v11, v9  }
0x5e: {  	s11 =	simm.s32 $0x0  }
0x5f: {  	v9 =	vadd.s32 s11, v5  }
0x60: {  	v8 =	vadd.s32 s11, v4  }
0x61: {  	v10 =	vadd.s32 s11, v3  }
0x62: {  	v11 =	vadd.s32 s11, v2  }
0x63: {  	v12 =	vadd.s32 s11, v0  }
0x64: {  	v13 =	vadd.s32 s11, v1;
	v14 =	vld.idx.msk [tilespmem:v9+s2+$0x0], $0xffff  }
0x65: {  	v15 =	vld.idx.msk [tilespmem:v8+s2+$0x0], $0xffff  }
0x66: {  	v16 =	vld.idx.msk [tilespmem:v10+s2+$0x0], $0xffff  }
0x67: {  	v17 =	vld.idx.msk [tilespmem:v11+s2+$0x0], $0xffff  }
0x68: {  	v18 =	vld.idx.msk [tilespmem:v12+s2+$0x0], $0xffff  }
0x69: {  	v19 =	vld.idx.msk [tilespmem:v13+s2+$0x0], $0xffff  }
0x6a: {  	v12 =	vld.idx.msk [tilespmem:v12+s8+$0x0], $0xffff  }
0x6b: {  	v13 =	vld.idx.msk [tilespmem:v13+s8+$0x0], $0xffff  }
0x6c: {  	v11 =	vld.idx.msk [tilespmem:v11+s8+$0x0], $0xffff  }
0x6d: {  	s12 =	simm.s32 $0x60;
	v10 =	vld.idx.msk [tilespmem:v10+s8+$0x0], $0xffff  }
0x6e: {  	v20 =	vld.idx.msk [tilespmem:v8+s8+$0x0], $0xffff;
	v8 =	vadd.s32 s12, v5;
	vm0 =	vge.s32 v15, v7;
	vm1 =	vge.s32 v14, v7  }
0x6f: {  	v9 =	vld.idx.msk [tilespmem:v9+s8+$0x0], $0xffff;
	vm2 =	vge.s32 v18, v7;
	vm3 =	vge.s32 v17, v7;
	vm4 =	vge.s32 v16, v7  }
0x70: {  	vm5 =	vgt.s32 v12, $0x0;
	vm6 =	vge.s32 v19, v7;
	vm7 =	vgt.s32 v13, $0x0  }
0x71: {  	vm9 =	vgt.s32 v11, $0x0;
	vm2 =	vmor vm2, vm6;
	vm5 =	vmor vm5, vm7  }
0x72: {  	vm11 =	vgt.s32 v10, $0x0;
	vm2 =	vmor vm2, vm3;
	vm10 =	vmor vm5, vm9  }
0x73: {  	vm12 =	vgt.s32 v20, $0x0;
	vm2 =	vmor vm2, vm4;
	vm3 =	vmor vm10, vm11  }
0x74: {  	vm14 =	vgt.s32 v9, $0x0;
	vm0 =	vmor vm2, vm0;
	vm13 =	vmor vm3, vm12  }
0x75: {  	v9 =	vadd.s32 s12, v4;
	vm0 =	vmor vm0, vm1;
	vm15 =	vmor vm13, vm14  }
0x76: {  	v10 =	vadd.s32 s12, v3;
	vm0 =	vmor vm0, vm15  }
0x77: {  	s11 =	simm.s32 $0x3000;
	v13 =	vadd.s32 s12, v2;
	v11 =	vsel vm0, $0x3F800000, v6  }
0x78: {  	v15 =	vadd.s32 s12, v0;
	[tilespmem:s11+$0x0] =	vst v11  }
0x79: {  	v16 =	vadd.s32 s12, v1;
	v12 =	vld.idx.msk [tilespmem:v8+s2+$0x0], $0xffff  }
0x7a: {  	v14 =	vld.idx.msk [tilespmem:v9+s2+$0x0], $0xffff  }
0x7b: {  	s12 =	simm.s32 $0xC0;
	v11 =	vld.idx.msk [tilespmem:v10+s2+$0x0], $0xffff  }
.LBB2_9:
0x7c: {  	p0 =	sne.s32 s12, $0x17A0;
	v17 =	vld.idx.msk [tilespmem:v13+s2+$0x0], $0xffff  }
0x7d: {  	v18 =	vld.idx.msk [tilespmem:v15+s2+$0x0], $0xffff  }
0x7e: {  	v19 =	vld.idx.msk [tilespmem:v16+s2+$0x0], $0xffff  }
0x7f: {  	v15 =	vld.idx.msk [tilespmem:v15+s8+$0x0], $0xffff  }
0x80: {  	v16 =	vld.idx.msk [tilespmem:v16+s8+$0x0], $0xffff  }
0x81: {  	v13 =	vld.idx.msk [tilespmem:v13+s8+$0x0], $0xffff  }
0x82: {  	v10 =	vld.idx.msk [tilespmem:v10+s8+$0x0], $0xffff  }
0x83: {  	v9 =	vld.idx.msk [tilespmem:v9+s8+$0x0], $0xffff  }
0x84: {  	vm1 =	vge.s32 v12, v7;
	vm0 =	vge.s32 v14, v7;
	v12 =	vld.idx.msk [tilespmem:v8+s8+$0x0], $0xffff;
	v8 =	vadd.s32 s12, v5  }
0x85: {  	vm4 =	vge.s32 v11, v7;
	vm3 =	vge.s32 v17, v7;
	vm2 =	vge.s32 v18, v7  }
0x86: {  	vm6 =	vge.s32 v19, v7;
	vm5 =	vgt.s32 v15, $0x0;
	vm7 =	vgt.s32 v16, $0x0  }
0x87: {  	vm2 =	vmor vm2, vm6;
	vm5 =	vmor vm5, vm7;
	vm6 =	vgt.s32 v13, $0x0  }
0x88: {  	vm2 =	vmor vm2, vm3;
	vm3 =	vmor vm5, vm6;
	vm5 =	vgt.s32 v10, $0x0  }
0x89: {  	vm2 =	vmor vm2, vm4;
	vm3 =	vmor vm3, vm5;
	vm4 =	vgt.s32 v9, $0x0  }
0x8a: {  	vm0 =	vmor vm2, vm0;
	vm2 =	vmor vm3, vm4;
	vm3 =	vgt.s32 v12, $0x0  }
0x8b: {  	v9 =	vadd.s32 s12, v4;
	vm0 =	vmor vm0, vm1;
	vm1 =	vmor vm2, vm3  }
0x8c: {  	v10 =	vadd.s32 s12, v3;
	vm0 =	vmor vm0, vm1  }
.Ltmp4:
0x8d: {  	s11 =	sadd.s32 $0x10, s11;
	v13 =	vadd.s32 s12, v2;
	v11 =	vsel vm0, $0x3F800000, v6;
	(pc) =	sbr.rel @p0 .LBB2_9-.Ltmp4, $4  }
0x8e: {  	v15 =	vadd.s32 s12, v0;
	[tilespmem:s11+$0x0] =	vst v11  }
0x8f: {  	v16 =	vadd.s32 s12, v1;
	v12 =	vld.idx.msk [tilespmem:v8+s2+$0x0], $0xffff  }
0x90: {  	v14 =	vld.idx.msk [tilespmem:v9+s2+$0x0], $0xffff  }
0x91: {  	s12 =	sadd.s32 $0x60, s12;
	v11 =	vld.idx.msk [tilespmem:v10+s2+$0x0], $0xffff  }
0x92: {  	_ =	sdelay $0x3  }
0x93: {  	v17 =	vld.idx.msk [tilespmem:v13+s2+$0x0], $0xffff  }
0x94: {  	v18 =	vld.idx.msk [tilespmem:v15+s2+$0x0], $0xffff  }
0x95: {  	v19 =	vld.idx.msk [tilespmem:v16+s2+$0x0], $0xffff  }
0x96: {  	v61 =	vld.idx.msk [tilespmem:v15+s8+$0x0], $0xffff  }
0x97: {  	v62 =	vld.idx.msk [tilespmem:v16+s8+$0x0], $0xffff  }
0x98: {  	v63 =	vld.idx.msk [tilespmem:v13+s8+$0x0], $0xffff  }
0x99: {  	v10 =	vld.idx.msk [tilespmem:v10+s8+$0x0], $0xffff  }
0x9a: {  	v9 =	vld.idx.msk [tilespmem:v9+s8+$0x0], $0xffff;
	vm1 =	vge.s32 v12, v7;
	vm0 =	vge.s32 v14, v7  }
0x9b: {  	v8 =	vld.idx.msk [tilespmem:v8+s8+$0x0], $0xffff;
	vm4 =	vge.s32 v11, v7;
	vm2 =	vge.s32 v18, v7;
	vm3 =	vge.s32 v17, v7  }
0x9c: {  	vm5 =	vgt.s32 v61, $0x0;
	vm6 =	vge.s32 v19, v7;
	vm7 =	vgt.s32 v62, $0x0  }
0x9d: {  	vm9 =	vgt.s32 v63, $0x0;
	vm2 =	vmor vm2, vm6;
	vm5 =	vmor vm5, vm7  }
0x9e: {  	vm11 =	vgt.s32 v10, $0x0;
	vm2 =	vmor vm2, vm3;
	vm10 =	vmor vm5, vm9  }
0x9f: {  	vm12 =	vgt.s32 v9, $0x0;
	vm2 =	vmor vm2, vm4;
	vm3 =	vmor vm10, vm11  }
0xa0: {  	vm14 =	vgt.s32 v8, $0x0;
	vm0 =	vmor vm2, vm0;
	vm13 =	vmor vm3, vm12  }
0xa1: {  	vm0 =	vmor vm0, vm1;
	vm15 =	vmor vm13, vm14  }
0xa2: {  	s10 =	sadd.s32 $0x1, s10;
	vm0 =	vmor vm0, vm15  }
0xa3: {  	s11 =	sadd.s32 $0x10, s11;
	p0 =	sne.s32 s10, s6;
	v7 =	vsel vm0, $0x3F800000, v6  }
.Ltmp5:
0xa4: {  	[tilespmem:s11+$0x0] =	vst v7;
	(pc) =	sbr.rel @p0 .LBB2_2-.Ltmp5, $4  }
0xa5: {  	[hbm4b:s4+s2] =	stream.linear.scatter [tilespmem:s9], [sflag:$0x1], $0x400, $0x38;
	[tilespmem:$0x3400] =	vst v63  }
0xa6: {  	_ =	swait.ge [sflag:s7], $0x400  }
0xa7: {  	[sflag:s7] =	ssyncset.done $0x0  }
0xa8: {  	[sflag:s7] =	ssyncadd.s32 $0xFFFFFC00  }
.LBB2_11:
0xa9: {  	_ =	sfence.sel $0x180000  }
0xaa: {  	[bflag:$0x0] =	sbarrier.arrive $0xFFFF  }
0xab: {  	p0 =	sne.s32 s1, $0x0;
	_ =	strace $0x90000047  }
0xac: {  	s0 =	sadd.s32 @!p0 $0x100000, s0;
	[bflag:$0x2] =	sbarrier.arrive $0xFFFF  }
0xad: {  	[sflag:s0] =	ssyncadd.tile.s32 @!p0 $0x1;
	_ =	shalt  }
.Lfunc_end2:
_tile_overlayer_lowered:
.L_overlay_start_2:
0xae: {  	(tag) =	ssettag $0x2  }
0xaf: {  	s0 =	rddreg [dreg:$0x0];
	s2 =	stileid.u32  }
0xb0: {  	s1 =	rddreg [dreg:$0x1];
	p0 =	sne.s32 s2, $0x0  }
0xb1: {  	s3 =	rddreg [dreg:$0x2];
	[bflag:$0x3] =	sbarrier.arrive $0xFFFF;
	s2 =	simm.s32 @!p0 $0x1C01  }
0xb2: {  	[timem:s3], [sflag:s2] =	dma.local @!p0 [hbm:s0], s1  }
0xb3: {  	s0 =	simm.s32 @!p0 $0x1  }
0xb4: {  	_ =	swait.ge @!p0 [sflag:s0], s1  }
0xb5: {  	s1 =	ssub.s32 @!p0 $0x0, s1;
	[sflag:s0] =	ssyncset.done @!p0 $0x0  }
0xb6: {  	[sflag:s0] =	ssyncadd.s32 @!p0 s1  }
0xb7: {  	[bflag:$0x3] =	sbarrier.arrive $0xFFFF  }
0xb8: {  	_ =	shalt  }

</sc_bundles>
